<compile_context>
chip_gen: v7x
topology: tpu7x:2x2x1
jax: 0.10.2.dev20260603
libtpu: 0.0.44.dev20260713+nightly
codegen_flags: <defaults>
</compile_context>

<pallas_src>
import functools

import jax
import jax.numpy as jnp
from jax import lax
from jax.experimental import pallas as pl
from jax.experimental.pallas import tpu as pltpu
from jax.experimental.pallas import tpu_sc as plsc

_VOCAB = 100000
_D = 768
_B = 4
_S = 2048
_HW = 224
_P = 16
_G = _HW // _P
_V = _G * _G
_SEQ = _S + _V
_BLK = 1024
_NJ = _SEQ // _BLK + 1

_NW = 32
_TOK = _B * _S
_TPW = _TOK // _NW
_CH = 64
_NCH = _TPW // _CH


def _sc_gather(table, ids):
    mesh = plsc.VectorSubcoreMesh(core_axis_name="c", subcore_axis_name="s")

    @functools.partial(
        pl.kernel,
        mesh=mesh,
        out_type=jax.ShapeDtypeStruct((_TOK, _D), jnp.float32),
        scratch_types=[
            pltpu.VMEM((_TPW,), jnp.int32),
            pltpu.VMEM((_CH, _D), jnp.float32),
            pltpu.VMEM((_CH, _D), jnp.float32),
            pltpu.SemaphoreType.DMA,
            pltpu.SemaphoreType.DMA,
        ],
    )
    def k(table_hbm, ids_hbm, out_hbm, idx_v, rows_a, rows_b, sem_a, sem_b):
        wid = lax.axis_index("s") * 2 + lax.axis_index("c")
        base = wid * _TPW
        pltpu.sync_copy(ids_hbm.at[pl.ds(base, _TPW)], idx_v)
        bufs = (rows_a, rows_b)
        sems = (sem_a, sem_b)

        def gather(c):
            return pltpu.async_copy(
                table_hbm.at[idx_v.at[pl.ds(c * _CH, _CH)]], bufs[c % 2],
                sems[c % 2])

        dmas = [gather(0), gather(1)]
        for c in range(_NCH):
            dmas[c].wait()
            pltpu.sync_copy(bufs[c % 2], out_hbm.at[pl.ds(base + c * _CH, _CH)])
            if c + 2 < _NCH:
                dmas.append(gather(c + 2))

    return k(table, ids)


def _tc_vis(images, vboxes, spatial_W, spatial_b, patch_W, patch_b):
    def body(img_ref, vb_ref, sw_ref, sb_ref, pw_ref, pb_ref, out_ref):
        xp = (img_ref[0].reshape(3, _G, _P, _G, _P)
              .transpose(1, 3, 0, 2, 4).reshape(_V, 3 * _P * _P))
        out_ref[0] = (jnp.dot(xp, pw_ref[...],
                              preferred_element_type=jnp.float32) + pb_ref[...]
                      + jnp.dot(vb_ref[...], sw_ref[...],
                                preferred_element_type=jnp.float32) + sb_ref[...])

    return pl.pallas_call(
        body,
        grid=(_B,),
        in_specs=[
            pl.BlockSpec((1, 3, _HW, _HW), lambda b: (b, 0, 0, 0)),
            pl.BlockSpec((_V, 4), lambda b: (0, 0)),
            pl.BlockSpec((4, _D), lambda b: (0, 0)),
            pl.BlockSpec((_D,), lambda b: (0,)),
            pl.BlockSpec((3 * _P * _P, _D), lambda b: (0, 0)),
            pl.BlockSpec((_D,), lambda b: (0,)),
        ],
        out_specs=pl.BlockSpec((1, _V, _D), lambda b: (b, 0, 0)),
        out_shape=jax.ShapeDtypeStruct((_B, _V, _D), jnp.float32),
    )(images, vboxes, spatial_W, spatial_b, patch_W, patch_b)


def _tc_fuse(sem, boxes, vis, spatial_W, spatial_b):
    def body(sem_ref, boxes_ref, vis_ref, sw_ref, sb_ref, out_ref):
        j = pl.program_id(1)

        @pl.when(j < _NJ - 1)
        def _():
            out_ref[0] = (sem_ref[0]
                          + jnp.dot(boxes_ref[0], sw_ref[...],
                                    preferred_element_type=jnp.float32)
                          + sb_ref[...])

        @pl.when(j == _NJ - 1)
        def _():
            out_ref[0, :_V, :] = vis_ref[0]

    jmax = _NJ - 2
    return pl.pallas_call(
        body,
        grid=(_B, _NJ),
        in_specs=[
            pl.BlockSpec((1, _BLK, _D), lambda b, j: (b, jnp.minimum(j, jmax), 0)),
            pl.BlockSpec((1, _BLK, 4), lambda b, j: (b, jnp.minimum(j, jmax), 0)),
            pl.BlockSpec((1, _V, _D), lambda b, j: (b, 0, 0)),
            pl.BlockSpec((4, _D), lambda b, j: (0, 0)),
            pl.BlockSpec((_D,), lambda b, j: (0,)),
        ],
        out_specs=pl.BlockSpec((1, _BLK, _D), lambda b, j: (b, j, 0)),
        out_shape=jax.ShapeDtypeStruct((_B, _SEQ, _D), jnp.float32),
    )(sem, boxes, vis, spatial_W, spatial_b)


def _vbox_const():
    r = jnp.arange(_G, dtype=jnp.float32)
    c = jnp.arange(_G, dtype=jnp.float32)
    rr, cc = jnp.meshgrid(r, c, indexing='ij')
    x0 = (cc / _G).reshape(-1)
    y0 = (rr / _G).reshape(-1)
    x1 = ((cc + 1.0) / _G).reshape(-1)
    y1 = ((rr + 1.0) / _G).reshape(-1)
    return jnp.stack([x0, y0, x1, y1], axis=-1)


def kernel(input_ids, boxes, images, shared_table, spatial_W, spatial_b,
           patch_W, patch_b):
    ids = input_ids.reshape(-1).astype(jnp.int32)
    sem = _sc_gather(shared_table, ids)
    vis = _tc_vis(images, _vbox_const(), spatial_W, spatial_b, patch_W, patch_b)
    return _tc_fuse(sem.reshape(_B, _S, _D), boxes, vis, spatial_W, spatial_b)

# --- scband reference (transcript-rebuilt; emitter-appended) ---
"""Pipeline reference for scband-embeddings-51823075393705 (READ-ONLY COPY).

The authoritative reference and input builder live on the scoring server;
editing this copy changes nothing except your own understanding.
"""

import jax, jax.numpy as jnp
import numpy as np

VOCAB = 100000
D = 768
B = 4
S = 2048
HW = 224
P = 16
G = HW // P
V = G * G


def _visual_boxes():
    r = jnp.arange(G, dtype=jnp.float32)
    c = jnp.arange(G, dtype=jnp.float32)
    rr, cc = jnp.meshgrid(r, c, indexing='ij')
    x0 = (cc / G).reshape(-1)
    y0 = (rr / G).reshape(-1)
    x1 = ((cc + 1.0) / G).reshape(-1)
    y1 = ((rr + 1.0) / G).reshape(-1)
    return jnp.stack([x0, y0, x1, y1], axis=-1)  # [V, 4]


def setup_inputs(seed: int = 0) -> dict:
    key = jax.random.key(seed)
    ks = jax.random.split(key, 8)
    input_ids = jax.random.randint(ks[0], (B, S), 0, VOCAB, dtype=jnp.int64 if jax.config.jax_enable_x64 else jnp.int32)
    boxes = jax.random.uniform(ks[1], (B, S, 4), dtype=jnp.float32)
    images = jax.random.normal(ks[2], (B, 3, HW, HW), dtype=jnp.float32)
    shared_table = jax.random.normal(ks[3], (VOCAB, D), dtype=jnp.float32) * 0.02
    spatial_W = jax.random.normal(ks[4], (4, D), dtype=jnp.float32) * 0.02
    spatial_b = jnp.zeros((D,), dtype=jnp.float32)
    patch_W = jax.random.normal(ks[5], (3 * P * P, D), dtype=jnp.float32) * 0.02
    patch_b = jnp.zeros((D,), dtype=jnp.float32)
    return {
        'input_ids': input_ids,
        'boxes': boxes,
        'images': images,
        'shared_table': shared_table,
        'spatial_W': spatial_W,
        'spatial_b': spatial_b,
        'patch_W': patch_W,
        'patch_b': patch_b,
    }


def reference(input_ids, boxes, images, shared_table, spatial_W, spatial_b, patch_W, patch_b):
    # shared(input_ids): embedding gather
    semantic_embedding = jnp.take(shared_table, input_ids, axis=0)  # [B, S, D]
    # spatial_embedding(boxes): linear projection of box coords
    spatial_embedding = boxes @ spatial_W + spatial_b  # [B, S, D]
    inputs_embeds = semantic_embedding + spatial_embedding
    # visual_embedding(images) -> (visual_embedding, visual_boxes)
    x = images.reshape(B, 3, G, P, G, P).transpose(0, 2, 4, 1, 3, 5).reshape(B, V, 3 * P * P)
    visual_embedding = x @ patch_W + patch_b  # [B, V, D]
    visual_boxes = jnp.broadcast_to(_visual_boxes()[None, :, :], (B, V, 4))
    # spatial_embedding(visual_boxes)
    visual_spatial_embedding = visual_boxes @ spatial_W + spatial_b  # [B, V, D]
    visual_embeds = visual_embedding + visual_spatial_embedding
    inputs_embeds = jnp.concatenate([inputs_embeds, visual_embeds], axis=1)  # [B, S+V, D]
    return inputs_embeds

if __name__ == "__main__":
    import jax
    _d = setup_inputs()
    print(jax.jit(kernel)(*tuple(_d.values())))

</pallas_src>

<mosaic_0001>
#map = affine_map<(d0, d1) -> (0, 0)>
#map1 = affine_map<(d0, d1) -> (0)>
module attributes {stable_mosaic.version = 14 : i64} {
  func.func @k(%arg0: i32, %arg1: i32, %arg2: memref<100000x768xf32, #tpu.memory_space<hbm>>, %arg3: memref<8192xi32, #tpu.memory_space<hbm>>, %arg4: memref<8192x768xf32, #tpu.memory_space<hbm>>, %arg5: memref<256xi32, #tpu.memory_space<vmem>>, %arg6: memref<64x768xf32, #tpu.memory_space<vmem>>, %arg7: memref<64x768xf32, #tpu.memory_space<vmem>>, %arg8: memref<!tpu.dma_semaphore, #tpu.memory_space<semaphore_mem>>, %arg9: memref<!tpu.dma_semaphore, #tpu.memory_space<semaphore_mem>>) attributes {dimension_semantics = [#tpu.dimension_semantics<core_parallel>, #tpu.dimension_semantics<subcore_parallel>], iteration_bounds = array<i64: 2, 16>, scalar_prefetch = 0 : i64, scratch_operands = 5 : i64, tpu.core_type = #tpu.core_type<sc_vector_subcore>, window_params = [{transform_indices = #map}, {transform_indices = #map1}, {transform_indices = #map}]} {
    %mul3A = arith.constant 2 : i32
    %mul3A_0 = arith.muli %arg1, %mul3A : i32
    %add3A = arith.addi %mul3A_0, %arg0 : i32
    %mul3A_1 = arith.constant 256 : i32
    %mul3A_2 = arith.muli %add3A, %mul3A_1 : i32
    "tpu.region"() ({
      %run_scoped3A = tpu.sem_alloc : memref<!tpu.dma_semaphore, #tpu.memory_space<semaphore_mem>>
      %dma_start3A_49 = tpu.memref_slice %arg3[%mul3A_2] : memref<8192xi32, #tpu.memory_space<hbm>> -> memref<256xi32, #tpu.memory_space<hbm>>
      %dma_start3A_50 = tpu.memref_slice %arg3[%mul3A_2] : memref<8192xi32, #tpu.memory_space<hbm>> -> memref<256xi32, #tpu.memory_space<hbm>>
      tpu.enqueue_dma source(%dma_start3A_50 : memref<256xi32, #tpu.memory_space<hbm>>) target(%arg5 : memref<256xi32, #tpu.memory_space<vmem>>) target_semaphore(%run_scoped3A : memref<!tpu.dma_semaphore, #tpu.memory_space<semaphore_mem>>)
      %dma_wait3A_51 = tpu.memref_slice %arg3[%mul3A_2] : memref<8192xi32, #tpu.memory_space<hbm>> -> memref<256xi32, #tpu.memory_space<hbm>>
      %dma_wait3A_52 = tpu.memref_slice %arg3[%mul3A_2] : memref<8192xi32, #tpu.memory_space<hbm>> -> memref<256xi32, #tpu.memory_space<hbm>>
      tpu.wait_dma2 semaphore(%run_scoped3A : memref<!tpu.dma_semaphore, #tpu.memory_space<semaphore_mem>>) src(%dma_wait3A_52 : memref<256xi32, #tpu.memory_space<hbm>>) dst(%arg5 : memref<256xi32, #tpu.memory_space<vmem>>)
      tpu.yield
    }) : () -> ()
    %dma_start3A = arith.constant 0 : i32
    %dma_start3A_3 = tpu.memref_slice %arg5[%dma_start3A] : memref<256xi32, #tpu.memory_space<vmem>> -> memref<64xi32, #tpu.memory_space<vmem>>
    %dma_start3A_4 = arith.constant 0 : i32
    %dma_start3A_5 = arith.constant 0 : i32
    %dma_start3A_6 = tpu.memref_slice %arg2[%dma_start3A_4, %dma_start3A_5] : memref<100000x768xf32, #tpu.memory_space<hbm>> -> memref<100000x768xf32, #tpu.memory_space<hbm>>
    tpu.enqueue_indirect_dma source(%dma_start3A_6 : memref<100000x768xf32, #tpu.memory_space<hbm>>) target(%arg6 : memref<64x768xf32, #tpu.memory_space<vmem>>) offsets(%dma_start3A_3 : memref<64xi32, #tpu.memory_space<vmem>>) semaphore(%arg8 : memref<!tpu.dma_semaphore, #tpu.memory_space<semaphore_mem>>)
    %dma_start3A_7 = arith.constant 64 : i32
    %dma_start3A_8 = tpu.memref_slice %arg5[%dma_start3A_7] : memref<256xi32, #tpu.memory_space<vmem>> -> memref<64xi32, #tpu.memory_space<vmem>>
    %dma_start3A_9 = arith.constant 0 : i32
    %dma_start3A_10 = arith.constant 0 : i32
    %dma_start3A_11 = tpu.memref_slice %arg2[%dma_start3A_9, %dma_start3A_10] : memref<100000x768xf32, #tpu.memory_space<hbm>> -> memref<100000x768xf32, #tpu.memory_space<hbm>>
    tpu.enqueue_indirect_dma source(%dma_start3A_11 : memref<100000x768xf32, #tpu.memory_space<hbm>>) target(%arg7 : memref<64x768xf32, #tpu.memory_space<vmem>>) offsets(%dma_start3A_8 : memref<64xi32, #tpu.memory_space<vmem>>) semaphore(%arg9 : memref<!tpu.dma_semaphore, #tpu.memory_space<semaphore_mem>>)
    %dma_wait3A = arith.constant 0 : i32
    %dma_wait3A_12 = tpu.memref_slice %arg5[%dma_wait3A] : memref<256xi32, #tpu.memory_space<vmem>> -> memref<64xi32, #tpu.memory_space<vmem>>
    %dma_wait3A_13 = arith.constant 0 : i32
    %dma_wait3A_14 = arith.constant 0 : i32
    %dma_wait3A_15 = tpu.memref_slice %arg2[%dma_wait3A_13, %dma_wait3A_14] : memref<100000x768xf32, #tpu.memory_space<hbm>> -> memref<100000x768xf32, #tpu.memory_space<hbm>>
    tpu.wait_indirect_dma semaphore(%arg8 : memref<!tpu.dma_semaphore, #tpu.memory_space<semaphore_mem>>) src(%dma_wait3A_15 : memref<100000x768xf32, #tpu.memory_space<hbm>>) dst(%arg6 : memref<64x768xf32, #tpu.memory_space<vmem>>)
    %add3A_16 = arith.constant 0 : i32
    %add3A_17 = arith.addi %mul3A_2, %add3A_16 : i32
    "tpu.region"() ({
      %run_scoped3A = tpu.sem_alloc : memref<!tpu.dma_semaphore, #tpu.memory_space<semaphore_mem>>
      %dma_start3A_49 = arith.constant 0 : i32
      %dma_start3A_50 = tpu.memref_slice %arg4[%add3A_17, %dma_start3A_49] : memref<8192x768xf32, #tpu.memory_space<hbm>> -> memref<64x768xf32, #tpu.memory_space<hbm>>
      %dma_start3A_51 = arith.constant 0 : i32
      %dma_start3A_52 = tpu.memref_slice %arg4[%add3A_17, %dma_start3A_51] : memref<8192x768xf32, #tpu.memory_space<hbm>> -> memref<64x768xf32, #tpu.memory_space<hbm>>
      tpu.enqueue_dma source(%arg6 : memref<64x768xf32, #tpu.memory_space<vmem>>) target(%dma_start3A_52 : memref<64x768xf32, #tpu.memory_space<hbm>>) target_semaphore(%run_scoped3A : memref<!tpu.dma_semaphore, #tpu.memory_space<semaphore_mem>>)
      %dma_wait3A_53 = arith.constant 0 : i32
      %dma_wait3A_54 = tpu.memref_slice %arg4[%add3A_17, %dma_wait3A_53] : memref<8192x768xf32, #tpu.memory_space<hbm>> -> memref<64x768xf32, #tpu.memory_space<hbm>>
      %dma_wait3A_55 = arith.constant 0 : i32
      %dma_wait3A_56 = tpu.memref_slice %arg4[%add3A_17, %dma_wait3A_55] : memref<8192x768xf32, #tpu.memory_space<hbm>> -> memref<64x768xf32, #tpu.memory_space<hbm>>
      tpu.wait_dma2 semaphore(%run_scoped3A : memref<!tpu.dma_semaphore, #tpu.memory_space<semaphore_mem>>) src(%arg6 : memref<64x768xf32, #tpu.memory_space<vmem>>) dst(%dma_wait3A_56 : memref<64x768xf32, #tpu.memory_space<hbm>>)
      tpu.yield
    }) : () -> ()
    %dma_start3A_18 = arith.constant 128 : i32
    %dma_start3A_19 = tpu.memref_slice %arg5[%dma_start3A_18] : memref<256xi32, #tpu.memory_space<vmem>> -> memref<64xi32, #tpu.memory_space<vmem>>
    %dma_start3A_20 = arith.constant 0 : i32
    %dma_start3A_21 = arith.constant 0 : i32
    %dma_start3A_22 = tpu.memref_slice %arg2[%dma_start3A_20, %dma_start3A_21] : memref<100000x768xf32, #tpu.memory_space<hbm>> -> memref<100000x768xf32, #tpu.memory_space<hbm>>
    tpu.enqueue_indirect_dma source(%dma_start3A_22 : memref<100000x768xf32, #tpu.memory_space<hbm>>) target(%arg6 : memref<64x768xf32, #tpu.memory_space<vmem>>) offsets(%dma_start3A_19 : memref<64xi32, #tpu.memory_space<vmem>>) semaphore(%arg8 : memref<!tpu.dma_semaphore, #tpu.memory_space<semaphore_mem>>)
    %dma_wait3A_23 = arith.constant 64 : i32
    %dma_wait3A_24 = tpu.memref_slice %arg5[%dma_wait3A_23] : memref<256xi32, #tpu.memory_space<vmem>> -> memref<64xi32, #tpu.memory_space<vmem>>
    %dma_wait3A_25 = arith.constant 0 : i32
    %dma_wait3A_26 = arith.constant 0 : i32
    %dma_wait3A_27 = tpu.memref_slice %arg2[%dma_wait3A_25, %dma_wait3A_26] : memref<100000x768xf32, #tpu.memory_space<hbm>> -> memref<100000x768xf32, #tpu.memory_space<hbm>>
    tpu.wait_indirect_dma semaphore(%arg9 : memref<!tpu.dma_semaphore, #tpu.memory_space<semaphore_mem>>) src(%dma_wait3A_27 : memref<100000x768xf32, #tpu.memory_space<hbm>>) dst(%arg7 : memref<64x768xf32, #tpu.memory_space<vmem>>)
    %add3A_28 = arith.constant 64 : i32
    %add3A_29 = arith.addi %mul3A_2, %add3A_28 : i32
    "tpu.region"() ({
      %run_scoped3A = tpu.sem_alloc : memref<!tpu.dma_semaphore, #tpu.memory_space<semaphore_mem>>
      %dma_start3A_49 = arith.constant 0 : i32
      %dma_start3A_50 = tpu.memref_slice %arg4[%add3A_29, %dma_start3A_49] : memref<8192x768xf32, #tpu.memory_space<hbm>> -> memref<64x768xf32, #tpu.memory_space<hbm>>
      %dma_start3A_51 = arith.constant 0 : i32
      %dma_start3A_52 = tpu.memref_slice %arg4[%add3A_29, %dma_start3A_51] : memref<8192x768xf32, #tpu.memory_space<hbm>> -> memref<64x768xf32, #tpu.memory_space<hbm>>
      tpu.enqueue_dma source(%arg7 : memref<64x768xf32, #tpu.memory_space<vmem>>) target(%dma_start3A_52 : memref<64x768xf32, #tpu.memory_space<hbm>>) target_semaphore(%run_scoped3A : memref<!tpu.dma_semaphore, #tpu.memory_space<semaphore_mem>>)
      %dma_wait3A_53 = arith.constant 0 : i32
      %dma_wait3A_54 = tpu.memref_slice %arg4[%add3A_29, %dma_wait3A_53] : memref<8192x768xf32, #tpu.memory_space<hbm>> -> memref<64x768xf32, #tpu.memory_space<hbm>>
      %dma_wait3A_55 = arith.constant 0 : i32
      %dma_wait3A_56 = tpu.memref_slice %arg4[%add3A_29, %dma_wait3A_55] : memref<8192x768xf32, #tpu.memory_space<hbm>> -> memref<64x768xf32, #tpu.memory_space<hbm>>
      tpu.wait_dma2 semaphore(%run_scoped3A : memref<!tpu.dma_semaphore, #tpu.memory_space<semaphore_mem>>) src(%arg7 : memref<64x768xf32, #tpu.memory_space<vmem>>) dst(%dma_wait3A_56 : memref<64x768xf32, #tpu.memory_space<hbm>>)
      tpu.yield
    }) : () -> ()
    %dma_start3A_30 = arith.constant 192 : i32
    %dma_start3A_31 = tpu.memref_slice %arg5[%dma_start3A_30] : memref<256xi32, #tpu.memory_space<vmem>> -> memref<64xi32, #tpu.memory_space<vmem>>
    %dma_start3A_32 = arith.constant 0 : i32
    %dma_start3A_33 = arith.constant 0 : i32
    %dma_start3A_34 = tpu.memref_slice %arg2[%dma_start3A_32, %dma_start3A_33] : memref<100000x768xf32, #tpu.memory_space<hbm>> -> memref<100000x768xf32, #tpu.memory_space<hbm>>
    tpu.enqueue_indirect_dma source(%dma_start3A_34 : memref<100000x768xf32, #tpu.memory_space<hbm>>) target(%arg7 : memref<64x768xf32, #tpu.memory_space<vmem>>) offsets(%dma_start3A_31 : memref<64xi32, #tpu.memory_space<vmem>>) semaphore(%arg9 : memref<!tpu.dma_semaphore, #tpu.memory_space<semaphore_mem>>)
    %dma_wait3A_35 = arith.constant 128 : i32
    %dma_wait3A_36 = tpu.memref_slice %arg5[%dma_wait3A_35] : memref<256xi32, #tpu.memory_space<vmem>> -> memref<64xi32, #tpu.memory_space<vmem>>
    %dma_wait3A_37 = arith.constant 0 : i32
    %dma_wait3A_38 = arith.constant 0 : i32
    %dma_wait3A_39 = tpu.memref_slice %arg2[%dma_wait3A_37, %dma_wait3A_38] : memref<100000x768xf32, #tpu.memory_space<hbm>> -> memref<100000x768xf32, #tpu.memory_space<hbm>>
    tpu.wait_indirect_dma semaphore(%arg8 : memref<!tpu.dma_semaphore, #tpu.memory_space<semaphore_mem>>) src(%dma_wait3A_39 : memref<100000x768xf32, #tpu.memory_space<hbm>>) dst(%arg6 : memref<64x768xf32, #tpu.memory_space<vmem>>)
    %add3A_40 = arith.constant 128 : i32
    %add3A_41 = arith.addi %mul3A_2, %add3A_40 : i32
    "tpu.region"() ({
      %run_scoped3A = tpu.sem_alloc : memref<!tpu.dma_semaphore, #tpu.memory_space<semaphore_mem>>
      %dma_start3A_49 = arith.constant 0 : i32
      %dma_start3A_50 = tpu.memref_slice %arg4[%add3A_41, %dma_start3A_49] : memref<8192x768xf32, #tpu.memory_space<hbm>> -> memref<64x768xf32, #tpu.memory_space<hbm>>
      %dma_start3A_51 = arith.constant 0 : i32
      %dma_start3A_52 = tpu.memref_slice %arg4[%add3A_41, %dma_start3A_51] : memref<8192x768xf32, #tpu.memory_space<hbm>> -> memref<64x768xf32, #tpu.memory_space<hbm>>
      tpu.enqueue_dma source(%arg6 : memref<64x768xf32, #tpu.memory_space<vmem>>) target(%dma_start3A_52 : memref<64x768xf32, #tpu.memory_space<hbm>>) target_semaphore(%run_scoped3A : memref<!tpu.dma_semaphore, #tpu.memory_space<semaphore_mem>>)
      %dma_wait3A_53 = arith.constant 0 : i32
      %dma_wait3A_54 = tpu.memref_slice %arg4[%add3A_41, %dma_wait3A_53] : memref<8192x768xf32, #tpu.memory_space<hbm>> -> memref<64x768xf32, #tpu.memory_space<hbm>>
      %dma_wait3A_55 = arith.constant 0 : i32
      %dma_wait3A_56 = tpu.memref_slice %arg4[%add3A_41, %dma_wait3A_55] : memref<8192x768xf32, #tpu.memory_space<hbm>> -> memref<64x768xf32, #tpu.memory_space<hbm>>
      tpu.wait_dma2 semaphore(%run_scoped3A : memref<!tpu.dma_semaphore, #tpu.memory_space<semaphore_mem>>) src(%arg6 : memref<64x768xf32, #tpu.memory_space<vmem>>) dst(%dma_wait3A_56 : memref<64x768xf32, #tpu.memory_space<hbm>>)
      tpu.yield
    }) : () -> ()
    %dma_wait3A_42 = arith.constant 192 : i32
    %dma_wait3A_43 = tpu.memref_slice %arg5[%dma_wait3A_42] : memref<256xi32, #tpu.memory_space<vmem>> -> memref<64xi32, #tpu.memory_space<vmem>>
    %dma_wait3A_44 = arith.constant 0 : i32
    %dma_wait3A_45 = arith.constant 0 : i32
    %dma_wait3A_46 = tpu.memref_slice %arg2[%dma_wait3A_44, %dma_wait3A_45] : memref<100000x768xf32, #tpu.memory_space<hbm>> -> memref<100000x768xf32, #tpu.memory_space<hbm>>
    tpu.wait_indirect_dma semaphore(%arg9 : memref<!tpu.dma_semaphore, #tpu.memory_space<semaphore_mem>>) src(%dma_wait3A_46 : memref<100000x768xf32, #tpu.memory_space<hbm>>) dst(%arg7 : memref<64x768xf32, #tpu.memory_space<vmem>>)
    %add3A_47 = arith.constant 192 : i32
    %add3A_48 = arith.addi %mul3A_2, %add3A_47 : i32
    "tpu.region"() ({
      %run_scoped3A = tpu.sem_alloc : memref<!tpu.dma_semaphore, #tpu.memory_space<semaphore_mem>>
      %dma_start3A_49 = arith.constant 0 : i32
      %dma_start3A_50 = tpu.memref_slice %arg4[%add3A_48, %dma_start3A_49] : memref<8192x768xf32, #tpu.memory_space<hbm>> -> memref<64x768xf32, #tpu.memory_space<hbm>>
      %dma_start3A_51 = arith.constant 0 : i32
      %dma_start3A_52 = tpu.memref_slice %arg4[%add3A_48, %dma_start3A_51] : memref<8192x768xf32, #tpu.memory_space<hbm>> -> memref<64x768xf32, #tpu.memory_space<hbm>>
      tpu.enqueue_dma source(%arg7 : memref<64x768xf32, #tpu.memory_space<vmem>>) target(%dma_start3A_52 : memref<64x768xf32, #tpu.memory_space<hbm>>) target_semaphore(%run_scoped3A : memref<!tpu.dma_semaphore, #tpu.memory_space<semaphore_mem>>)
      %dma_wait3A_53 = arith.constant 0 : i32
      %dma_wait3A_54 = tpu.memref_slice %arg4[%add3A_48, %dma_wait3A_53] : memref<8192x768xf32, #tpu.memory_space<hbm>> -> memref<64x768xf32, #tpu.memory_space<hbm>>
      %dma_wait3A_55 = arith.constant 0 : i32
      %dma_wait3A_56 = tpu.memref_slice %arg4[%add3A_48, %dma_wait3A_55] : memref<8192x768xf32, #tpu.memory_space<hbm>> -> memref<64x768xf32, #tpu.memory_space<hbm>>
      tpu.wait_dma2 semaphore(%run_scoped3A : memref<!tpu.dma_semaphore, #tpu.memory_space<semaphore_mem>>) src(%arg7 : memref<64x768xf32, #tpu.memory_space<vmem>>) dst(%dma_wait3A_56 : memref<64x768xf32, #tpu.memory_space<hbm>>)
      tpu.yield
    }) : () -> ()
    return
  }
}

module attributes {stable_mosaic.version = 14 : i64} {
  func.func @body(%arg0: i32, %arg1: memref<1x3x224x224xf32, #tpu.memory_space<vmem>>, %arg2: memref<196x4xf32, #tpu.memory_space<vmem>>, %arg3: memref<4x768xf32, #tpu.memory_space<vmem>>, %arg4: memref<768xf32, #tpu.memory_space<vmem>>, %arg5: memref<768x768xf32, #tpu.memory_space<vmem>>, %arg6: memref<768xf32, #tpu.memory_space<vmem>>, %arg7: memref<1x196x768xf32, #tpu.memory_space<vmem>>) attributes {dimension_semantics = [#tpu.dimension_semantics<arbitrary>], iteration_bounds = array<i64: 4>, scalar_prefetch = 0 : i64, scratch_operands = 0 : i64, tpu.core_type = #tpu.core_type<tc>, window_params = [{transform_indices = @transform_0, window_bounds = array<i64: 1, 3, 224, 224>}, {pipeline_mode = #tpu.pipeline_mode<synchronous>, transform_indices = @transform_1, window_bounds = array<i64: 196, 4>}, {pipeline_mode = #tpu.pipeline_mode<synchronous>, transform_indices = @transform_2, window_bounds = array<i64: 4, 768>}, {pipeline_mode = #tpu.pipeline_mode<synchronous>, transform_indices = @transform_3, window_bounds = array<i64: 768>}, {pipeline_mode = #tpu.pipeline_mode<synchronous>, transform_indices = @transform_4, window_bounds = array<i64: 768, 768>}, {pipeline_mode = #tpu.pipeline_mode<synchronous>, transform_indices = @transform_5, window_bounds = array<i64: 768>}, {transform_indices = @transform_6, window_bounds = array<i64: 1, 196, 768>}]} {
    %get3A = arith.constant 0 : index
    %get3A_0 = arith.constant 0 : index
    %get3A_1 = arith.constant 0 : index
    %get3A_2 = arith.constant 0 : index
    %get3A_3 = vector.load %arg1[%get3A, %get3A_0, %get3A_1, %get3A_2] : memref<1x3x224x224xf32, #tpu.memory_space<vmem>>, vector<1x3x224x224xf32>
    %get3A_4 = vector.shape_cast %get3A_3 : vector<1x3x224x224xf32> to vector<3x224x224xf32>
    %reshape3A = vector.shape_cast %get3A_4 : vector<3x224x224xf32> to vector<3x14x16x14x16xf32>
    %transpose3A = tpu.transpose %reshape3A, [1, 3, 0, 2, 4] : vector<3x14x16x14x16xf32> -> vector<14x14x3x16x16xf32>
    %reshape3A_5 = vector.shape_cast %transpose3A : vector<14x14x3x16x16xf32> to vector<196x768xf32>
    %get3A_6 = arith.constant 0 : index
    %get3A_7 = arith.constant 0 : index
    %get3A_8 = vector.load %arg5[%get3A_6, %get3A_7] : memref<768x768xf32, #tpu.memory_space<vmem>>, vector<768x768xf32>
    %dot_general3A = arith.constant dense<0.000000e+00> : vector<196x768xf32>
    %dot_general3A_9 = tpu.matmul %reshape3A_5, %get3A_8, %dot_general3A {dimension_numbers = #tpu.dot_dimension_numbers<[1], [0], [0], [1], [0, 0, 1, 1], [], []>, transpose_lhs_hint = false} : vector<196x768xf32>, vector<768x768xf32>, vector<196x768xf32> -> vector<196x768xf32>
    %get3A_10 = arith.constant 0 : index
    %get3A_11 = vector.load %arg6[%get3A_10] : memref<768xf32, #tpu.memory_space<vmem>>, vector<768xf32>
    %broadcast_in_dim3A = vector.shape_cast %get3A_11 : vector<768xf32> to vector<1x768xf32>
    %add3A = vector.broadcast %broadcast_in_dim3A : vector<1x768xf32> to vector<196x768xf32>
    %add3A_12 = arith.addf %dot_general3A_9, %add3A : vector<196x768xf32>
    %get3A_13 = arith.constant 0 : index
    %get3A_14 = arith.constant 0 : index
    %get3A_15 = vector.load %arg2[%get3A_13, %get3A_14] : memref<196x4xf32, #tpu.memory_space<vmem>>, vector<196x4xf32>
    %get3A_16 = arith.constant 0 : index
    %get3A_17 = arith.constant 0 : index
    %get3A_18 = vector.load %arg3[%get3A_16, %get3A_17] : memref<4x768xf32, #tpu.memory_space<vmem>>, vector<4x768xf32>
    %dot_general3A_19 = arith.constant dense<0.000000e+00> : vector<196x768xf32>
    %dot_general3A_20 = tpu.matmul %get3A_15, %get3A_18, %dot_general3A_19 {dimension_numbers = #tpu.dot_dimension_numbers<[1], [0], [0], [1], [0, 0, 1, 1], [], []>, transpose_lhs_hint = false} : vector<196x4xf32>, vector<4x768xf32>, vector<196x768xf32> -> vector<196x768xf32>
    %add3A_21 = arith.addf %add3A_12, %dot_general3A_20 : vector<196x768xf32>
    %get3A_22 = arith.constant 0 : index
    %get3A_23 = vector.load %arg4[%get3A_22] : memref<768xf32, #tpu.memory_space<vmem>>, vector<768xf32>
    %broadcast_in_dim3A_24 = vector.shape_cast %get3A_23 : vector<768xf32> to vector<1x768xf32>
    %add3A_25 = vector.broadcast %broadcast_in_dim3A_24 : vector<1x768xf32> to vector<196x768xf32>
    %add3A_26 = arith.addf %add3A_21, %add3A_25 : vector<196x768xf32>
    %swap3A = arith.constant 0 : index
    %swap3A_27 = arith.constant 0 : index
    %swap3A_28 = arith.constant 0 : index
    %swap3A_29 = vector.load %arg7[%swap3A, %swap3A_27, %swap3A_28] : memref<1x196x768xf32, #tpu.memory_space<vmem>>, vector<1x196x768xf32>
    %swap3A_30 = vector.shape_cast %swap3A_29 : vector<1x196x768xf32> to vector<196x768xf32>
    %swap3A_31 = vector.shape_cast %add3A_26 : vector<196x768xf32> to vector<1x196x768xf32>
    tpu.vector_store %arg7[%swap3A, %swap3A_27, %swap3A_28], %swap3A_31 {strides = array<i32>} : memref<1x196x768xf32, #tpu.memory_space<vmem>>, vector<1x196x768xf32>,
    return
  }
  func.func @transform_0(%arg0: i32) -> (i32, i32, i32, i32) {
    %c0_i32 = arith.constant 0 : i32
    %c0_i32_0 = arith.constant 0 : i32
    %c0_i32_1 = arith.constant 0 : i32
    %c0_i32_2 = arith.constant 0 : i32
    return %arg0, %c0_i32, %c0_i32_0, %c0_i32_1 : i32, i32, i32, i32
  }
  func.func @transform_1(%arg0: i32) -> (i32, i32) {
    %c0_i32 = arith.constant 0 : i32
    %c0_i32_0 = arith.constant 0 : i32
    %c0_i32_1 = arith.constant 0 : i32
    return %c0_i32, %c0_i32_0 : i32, i32
  }
  func.func @transform_2(%arg0: i32) -> (i32, i32) {
    %c0_i32 = arith.constant 0 : i32
    %c0_i32_0 = arith.constant 0 : i32
    %c0_i32_1 = arith.constant 0 : i32
    return %c0_i32, %c0_i32_0 : i32, i32
  }
  func.func @transform_3(%arg0: i32) -> i32 {
    %c0_i32 = arith.constant 0 : i32
    %c0_i32_0 = arith.constant 0 : i32
    return %c0_i32 : i32
  }
  func.func @transform_4(%arg0: i32) -> (i32, i32) {
    %c0_i32 = arith.constant 0 : i32
    %c0_i32_0 = arith.constant 0 : i32
    %c0_i32_1 = arith.constant 0 : i32
    return %c0_i32, %c0_i32_0 : i32, i32
  }
  func.func @transform_5(%arg0: i32) -> i32 {
    %c0_i32 = arith.constant 0 : i32
    %c0_i32_0 = arith.constant 0 : i32
    return %c0_i32 : i32
  }
  func.func @transform_6(%arg0: i32) -> (i32, i32, i32) {
    %c0_i32 = arith.constant 0 : i32
    %c0_i32_0 = arith.constant 0 : i32
    %c0_i32_1 = arith.constant 0 : i32
    return %arg0, %c0_i32, %c0_i32_0 : i32, i32, i32
  }
}

module attributes {stable_mosaic.version = 14 : i64} {
  func.func @body(%arg0: i32, %arg1: i32, %arg2: memref<1x1024x768xf32, #tpu.memory_space<vmem>>, %arg3: memref<1x1024x4xf32, #tpu.memory_space<vmem>>, %arg4: memref<1x196x768xf32, #tpu.memory_space<vmem>>, %arg5: memref<4x768xf32, #tpu.memory_space<vmem>>, %arg6: memref<768xf32, #tpu.memory_space<vmem>>, %arg7: memref<1x1024x768xf32, #tpu.memory_space<vmem>>) attributes {dimension_semantics = [#tpu.dimension_semantics<arbitrary>, #tpu.dimension_semantics<arbitrary>], iteration_bounds = array<i64: 4, 3>, scalar_prefetch = 0 : i64, scratch_operands = 0 : i64, tpu.core_type = #tpu.core_type<tc>, window_params = [{transform_indices = @transform_0, window_bounds = array<i64: 1, 1024, 768>}, {transform_indices = @transform_1, window_bounds = array<i64: 1, 1024, 4>}, {transform_indices = @transform_2, window_bounds = array<i64: 1, 196, 768>}, {pipeline_mode = #tpu.pipeline_mode<synchronous>, transform_indices = @transform_3, window_bounds = array<i64: 4, 768>}, {pipeline_mode = #tpu.pipeline_mode<synchronous>, transform_indices = @transform_4, window_bounds = array<i64: 768>}, {transform_indices = @transform_5, window_bounds = array<i64: 1, 1024, 768>}]} {
    %lt3A = arith.constant 2 : i32
    %lt3A_0 = arith.cmpi slt, %arg1, %lt3A : i32
    %convert_element_type3A = arith.extui %lt3A_0 : i1 to i32
    %cond3A = arith.constant 0 : i32
    %cond3A_1 = arith.cmpi ne, %convert_element_type3A, %cond3A : i32
    scf.if %cond3A_1 {
      %get3A = arith.constant 0 : index
      %get3A_6 = arith.constant 0 : index
      %get3A_7 = arith.constant 0 : index
      %get3A_8 = vector.load %arg2[%get3A, %get3A_6, %get3A_7] : memref<1x1024x768xf32, #tpu.memory_space<vmem>>, vector<1x1024x768xf32>
      %get3A_9 = vector.shape_cast %get3A_8 : vector<1x1024x768xf32> to vector<1024x768xf32>
      %get3A_10 = arith.constant 0 : index
      %get3A_11 = arith.constant 0 : index
      %get3A_12 = arith.constant 0 : index
      %get3A_13 = vector.load %arg3[%get3A_10, %get3A_11, %get3A_12] : memref<1x1024x4xf32, #tpu.memory_space<vmem>>, vector<1x1024x4xf32>
      %get3A_14 = vector.shape_cast %get3A_13 : vector<1x1024x4xf32> to vector<1024x4xf32>
      %get3A_15 = arith.constant 0 : index
      %get3A_16 = arith.constant 0 : index
      %get3A_17 = vector.load %arg5[%get3A_15, %get3A_16] : memref<4x768xf32, #tpu.memory_space<vmem>>, vector<4x768xf32>
      %dot_general3A = arith.constant dense<0.000000e+00> : vector<1024x768xf32>
      %dot_general3A_18 = tpu.matmul %get3A_14, %get3A_17, %dot_general3A {dimension_numbers = #tpu.dot_dimension_numbers<[1], [0], [0], [1], [0, 0, 1, 1], [], []>, transpose_lhs_hint = false} : vector<1024x4xf32>, vector<4x768xf32>, vector<1024x768xf32> -> vector<1024x768xf32>
      %add3A = arith.addf %get3A_9, %dot_general3A_18 : vector<1024x768xf32>
      %get3A_19 = arith.constant 0 : index
      %get3A_20 = vector.load %arg6[%get3A_19] : memref<768xf32, #tpu.memory_space<vmem>>, vector<768xf32>
      %broadcast_in_dim3A = vector.shape_cast %get3A_20 : vector<768xf32> to vector<1x768xf32>
      %add3A_21 = vector.broadcast %broadcast_in_dim3A : vector<1x768xf32> to vector<1024x768xf32>
      %add3A_22 = arith.addf %add3A, %add3A_21 : vector<1024x768xf32>
      %swap3A = arith.constant 0 : index
      %swap3A_23 = arith.constant 0 : index
      %swap3A_24 = arith.constant 0 : index
      %swap3A_25 = vector.load %arg7[%swap3A, %swap3A_23, %swap3A_24] : memref<1x1024x768xf32, #tpu.memory_space<vmem>>, vector<1x1024x768xf32>
      %swap3A_26 = vector.shape_cast %swap3A_25 : vector<1x1024x768xf32> to vector<1024x768xf32>
      %swap3A_27 = vector.shape_cast %add3A_22 : vector<1024x768xf32> to vector<1x1024x768xf32>
      tpu.vector_store %arg7[%swap3A, %swap3A_23, %swap3A_24], %swap3A_27 {strides = array<i32>} : memref<1x1024x768xf32, #tpu.memory_space<vmem>>, vector<1x1024x768xf32>,
    } else {
    }
    %eq3A = arith.constant 2 : i32
    %eq3A_2 = arith.cmpi eq, %arg1, %eq3A : i32
    %convert_element_type3A_3 = arith.extui %eq3A_2 : i1 to i32
    %cond3A_4 = arith.constant 0 : i32
    %cond3A_5 = arith.cmpi ne, %convert_element_type3A_3, %cond3A_4 : i32
    scf.if %cond3A_5 {
      %get3A = arith.constant 0 : index
      %get3A_6 = arith.constant 0 : index
      %get3A_7 = arith.constant 0 : index
      %get3A_8 = vector.load %arg4[%get3A, %get3A_6, %get3A_7] : memref<1x196x768xf32, #tpu.memory_space<vmem>>, vector<1x196x768xf32>
      %get3A_9 = vector.shape_cast %get3A_8 : vector<1x196x768xf32> to vector<196x768xf32>
      %swap3A = arith.constant 0 : index
      %swap3A_10 = arith.constant 0 : index
      %swap3A_11 = arith.constant 0 : index
      %swap3A_12 = vector.load %arg7[%swap3A, %swap3A_10, %swap3A_11] : memref<1x1024x768xf32, #tpu.memory_space<vmem>>, vector<1x196x768xf32>
      %swap3A_13 = vector.shape_cast %swap3A_12 : vector<1x196x768xf32> to vector<196x768xf32>
      %swap3A_14 = vector.shape_cast %get3A_9 : vector<196x768xf32> to vector<1x196x768xf32>
      tpu.vector_store %arg7[%swap3A, %swap3A_10, %swap3A_11], %swap3A_14 {strides = array<i32>} : memref<1x1024x768xf32, #tpu.memory_space<vmem>>, vector<1x196x768xf32>,
    } else {
    }
    return
  }
  func.func @transform_0(%arg0: i32, %arg1: i32) -> (i32, i32, i32) {
    %min3A = arith.constant 1 : i32
    %min3A_0 = arith.minsi %arg1, %min3A : i32
    %c0_i32 = arith.constant 0 : i32
    %c0_i32_1 = arith.constant 0 : i32
    return %arg0, %min3A_0, %c0_i32 : i32, i32, i32
  }
  func.func @transform_1(%arg0: i32, %arg1: i32) -> (i32, i32, i32) {
    %min3A = arith.constant 1 : i32
    %min3A_0 = arith.minsi %arg1, %min3A : i32
    %c0_i32 = arith.constant 0 : i32
    %c0_i32_1 = arith.constant 0 : i32
    return %arg0, %min3A_0, %c0_i32 : i32, i32, i32
  }
  func.func @transform_2(%arg0: i32, %arg1: i32) -> (i32, i32, i32) {
    %c0_i32 = arith.constant 0 : i32
    %c0_i32_0 = arith.constant 0 : i32
    %c0_i32_1 = arith.constant 0 : i32
    return %arg0, %c0_i32, %c0_i32_0 : i32, i32, i32
  }
  func.func @transform_3(%arg0: i32, %arg1: i32) -> (i32, i32) {
    %c0_i32 = arith.constant 0 : i32
    %c0_i32_0 = arith.constant 0 : i32
    %c0_i32_1 = arith.constant 0 : i32
    return %c0_i32, %c0_i32_0 : i32, i32
  }
  func.func @transform_4(%arg0: i32, %arg1: i32) -> i32 {
    %c0_i32 = arith.constant 0 : i32
    %c0_i32_0 = arith.constant 0 : i32
    return %c0_i32 : i32
  }
  func.func @transform_5(%arg0: i32, %arg1: i32) -> (i32, i32, i32) {
    %c0_i32 = arith.constant 0 : i32
    %c0_i32_0 = arith.constant 0 : i32
    return %arg0, %arg1, %c0_i32 : i32, i32, i32
  }
}

</mosaic_0001>

<sc_bundles>
// kernel: kernel.5.cloned.1.call-start
scs
__scs_entry_jumppad:
0x0: {  	(pc) =	sbr.rel $0x88, $3  }
0x1: {  	(tag) =	ssettag $0x0;
	lr =	simm.s32 $0x1  }
0x2: {  	[smem:$0x3F99] =	sst lr;
	_ =	strace $0xD0000000  }
0x3: {  	_ = 	snop  }
0x4: {  	_ = 	snop  }
0x5: {  	_ = 	snop  }
0x6: {  	_ = 	snop  }
0x7: {  	_ = 	snop  }
__scs_overlays_trampoline_lowered:
0x8: {  	[smem:$0x3FA8] =	sst s0  }
0x9: {  	[smem:$0x3FA9] =	sst s1  }
0xa: {  	[smem:$0x3FAA] =	sst s2  }
0xb: {  	[smem:$0x3FAB] =	sst s3  }
0xc: {  	[smem:$0x3FAC] =	sst s4  }
0xd: {  	[smem:$0x3FAD] =	sst s5  }
0xe: {  	[smem:$0x3FAE] =	sst s6  }
0xf: {  	[smem:$0x3FAF] =	sst s7  }
0x10: {  	[smem:$0x3FB0] =	sst s8  }
0x11: {  	[smem:$0x3FB1] =	sst s9;
	s0 =	simm.s32 @!p0 $0x0  }
0x12: {  	s1 =	sld [smem:$0x3F97];
	s0 =	simm.s32 @p0 $0x1  }
0x13: {  	[smem:$0x3FB2] =	sst s0;
	s0 =	simm.s32 @!p1 $0x0  }
0x14: {  	s2 =	sld [smem:$0x3F96];
	s0 =	simm.s32 @p1 $0x1  }
0x15: {  	[smem:$0x3FB3] =	sst s0;
	s0 =	simm.s32 @!p2 $0x0  }
0x16: {  	s3 =	sld [smem:$0x3FDB];
	s0 =	simm.s32 @p2 $0x1  }
0x17: {  	s4 =	simm.s32 $0x1BF5;
	[smem:$0x3FB5] =	sst s0  }
0x18: {  	s0 =	sld [smem:$0x3F98];
	_ =	swait.ge [sflag:s4], $0x0  }
0x19: {  	s7 =	sld [smem:$0x3F99]  }
0x1a: {  	s8 =	sadd.s32 $0xFFFFE003, lr  }
0x1b: {  	s9 =	sadd.s32 $0xFFFFFEF7, lr;
	s5 =	simm.s32 $0xFFFFFFFF;
	p2 =	slt.u32 s8, $0xFFFFF086  }
0x1c: {  	p1 =	slt.u32 s9, $0xF7A;
	s5 =	simm.s32 @!p2 $0x0  }
0x1d: {  	s5 =	simm.s32 @p1 $0x1;
	p0 =	seq.s32 s7, s2  }
0x1e: {  	s7 =	smul.u32 @!p0 $0xF7A, s2;
	p2 =	seq.s32 @!p0 s5, $0x0  }
0x1f: {  	s9 =	smul.u32 $0xF7A, s1;
	s8 =	simm.s32 @!p0 $0x1BF5;
	p2 =	por !p2, p0  }
0x20: {  	[sflag:s8] =	ssyncset.s32 @!p0 $0xFFFFF086;
	s6 =	sadd.s32 @!p0 s3, s7;
	s7 =	simm.s32 @!p0 $0x108  }
0x21: {  	s3 =	sadd.s32 s3, s9;
	s6 =	sadd.s32 @!p0 $0x88, s6;
	s7 =	simm.s32 @p2 $0x1082  }
0x22: {  	[simem:s7], [sflag:s8] =	dma.local @!p0 [hbm:s6], $0xF7A  }
0x23: {  	s9 =	sor.u32 $0xD0000000, s2;
	s6 =	simm.s32 $0x108;
	_ =	swait.ge @!p0 [sflag:s8], $0x0  }
0x24: {  	s3 =	sadd.s32 $0x88, s3;
	s6 =	simm.s32 @!p1 $0x1082;
	[sflag:s4] =	ssyncset.s32 $0xFFFFF086  }
0x25: {  	[simem:s6], [sflag:s4] =	dma.local [hbm:s3], $0xF7A  }
0x26: {  	[smem:$0x3F99] =	sst s1;
	(tag) =	ssettag s2;
	_ =	strace s9  }
0x27: {  	s1 =	sld [smem:$0x3FA9]  }
0x28: {  	s2 =	sld [smem:$0x3FAA]  }
0x29: {  	s4 =	sld [smem:$0x3FAC]  }
0x2a: {  	p0 =	seq.s32 s5, $0x0;
	s5 =	sld [smem:$0x3FAD]  }
0x2b: {  	s6 =	sld [smem:$0x3FAE]  }
0x2c: {  	s7 =	sld [smem:$0x3FAF]  }
0x2d: {  	s3 =	simm.s32 $0x108;
	s8 =	sld [smem:$0x3FB0]  }
0x2e: {  	s3 =	simm.s32 @!p0 $0x1082;
	s9 =	sld [smem:$0x3FB1]  }
0x2f: {  	lr =	sadd.s32 s0, s3;
	s0 =	sld [smem:$0x3FA8]  }
0x30: {  	s3 =	sld [smem:$0x3FAB]  }
0x31: {  	[smem:$0x3FB4] =	sst s10  }
0x32: {  	s10 =	sld [smem:$0x3FB2];
	_ =	sdelay $0x3  }
0x33: {  	p0 =	seq.s32 s10, $0x1;
	s10 =	sld [smem:$0x3FB4];
	_ =	sdelay $0x3  }
0x34: {  	[smem:$0x3FB4] =	sst s10  }
0x35: {  	s10 =	sld [smem:$0x3FB3];
	_ =	sdelay $0x3  }
0x36: {  	p1 =	seq.s32 s10, $0x1;
	s10 =	sld [smem:$0x3FB4];
	_ =	sdelay $0x3  }
0x37: {  	[smem:$0x3FB4] =	sst s10  }
0x38: {  	s10 =	sld [smem:$0x3FB5]  }
0x39: {  	_ = 	snop;
	(pc) =	sbr.ind lr, $3  }
0x3a: {  	_ = 	snop  }
0x3b: {  	_ = 	snop  }
0x3c: {  	p2 =	seq.s32 s10, $0x1;
	s10 =	sld [smem:$0x3FB4]  }
0x3d: {  	_ =	shalt  }
0x3e: {  	_ =	shalt  }
0x3f: {  	_ =	shalt  }
0x40: {  	_ =	shalt  }
0x41: {  	_ =	shalt  }
0x42: {  	_ =	shalt  }
0x43: {  	_ =	shalt  }
0x44: {  	_ =	shalt  }
0x45: {  	_ =	shalt  }
0x46: {  	_ =	shalt  }
0x47: {  	_ =	shalt  }
0x48: {  	_ =	shalt  }
0x49: {  	_ =	shalt  }
0x4a: {  	_ =	shalt  }
0x4b: {  	_ =	shalt  }
0x4c: {  	_ =	shalt  }
0x4d: {  	_ =	shalt  }
0x4e: {  	_ =	shalt  }
0x4f: {  	_ =	shalt  }
0x50: {  	_ =	shalt  }
0x51: {  	_ =	shalt  }
0x52: {  	_ =	shalt  }
0x53: {  	_ =	shalt  }
0x54: {  	_ =	shalt  }
0x55: {  	_ =	shalt  }
0x56: {  	_ =	shalt  }
0x57: {  	_ =	shalt  }
0x58: {  	_ =	shalt  }
0x59: {  	_ =	shalt  }
0x5a: {  	_ =	shalt  }
0x5b: {  	_ =	shalt  }
0x5c: {  	_ =	shalt  }
0x5d: {  	_ =	shalt  }
0x5e: {  	_ =	shalt  }
0x5f: {  	_ =	shalt  }
0x60: {  	_ =	shalt  }
0x61: {  	_ =	shalt  }
0x62: {  	_ =	shalt  }
0x63: {  	_ =	shalt  }
0x64: {  	_ =	shalt  }
0x65: {  	_ =	shalt  }
0x66: {  	_ =	shalt  }
0x67: {  	_ =	shalt  }
0x68: {  	_ =	shalt  }
0x69: {  	_ =	shalt  }
0x6a: {  	_ =	shalt  }
0x6b: {  	_ =	shalt  }
0x6c: {  	_ =	shalt  }
0x6d: {  	_ =	shalt  }
0x6e: {  	_ =	shalt  }
0x6f: {  	_ =	shalt  }
0x70: {  	_ =	shalt  }
0x71: {  	_ =	shalt  }
0x72: {  	_ =	shalt  }
0x73: {  	_ =	shalt  }
0x74: {  	_ =	shalt  }
0x75: {  	_ =	shalt  }
0x76: {  	_ =	shalt  }
0x77: {  	_ =	shalt  }
0x78: {  	_ =	shalt  }
0x79: {  	_ =	shalt  }
0x7a: {  	_ =	shalt  }
0x7b: {  	_ =	shalt  }
0x7c: {  	_ =	shalt  }
0x7d: {  	_ =	shalt  }
0x7e: {  	_ =	shalt  }
0x7f: {  	_ =	shalt  }
0x80: {  	_ =	shalt  }
0x81: {  	_ =	shalt  }
0x82: {  	_ =	shalt  }
0x83: {  	_ =	shalt  }
0x84: {  	_ =	shalt  }
0x85: {  	_ =	shalt  }
0x86: {  	_ =	shalt  }
0x87: {  	_ =	shalt  }
.Lfunc_end0:
.L_simem_size_0:
called_computation_lowered:
.L_overlay_start_0:
0x88: {  	s2 =	sld [smem:$0x3FD9]  }
0x89: {  	s3 =	sld [smem:$0x3FFE];
	_ =	sdelay $0x1  }
0x8a: {  	s1 =	srdreg.scid  }
0x8b: {  	s0 =	sand.u32 $0x1, s1  }
0x8c: {  	s17 =	sshll.u32 s0, $0xA;
	s2 =	sadd.s32 s3, s2  }
0x8d: {  	s2 =	sadd.s32 s2, s17  }
0x8e: {  	[smem:$0x3FC0] =	sst s2  }
0x8f: {  	_ = 	snop  }
0x90: {  	s2 =	sld [smem:$0x3FC6]  }
0x91: {  	s18 =	sld [smem:$0x3FD0];
	(tm) =	ssettm $0x1  }
0x92: {  	s4 =	sld [smem:$0x3FFB];
	_ =	sdelay $0x3  }
0x93: {  	_ =	strace s4  }
0x94: {  	s4 =	sld [smem:$0x3FFC];
	_ =	sdelay $0x3  }
0x95: {  	_ =	strace s4  }
0x96: {  	s4 =	sld [smem:$0x3FFD];
	_ =	sdelay $0x3  }
0x97: {  	_ =	strace s4  }
0x98: {  	_ =	strace $0x8FFFFFFF  }
0x99: {  	s19 =	sld [smem:$0x3FDB];
	_ =	sdelay $0x1  }
0x9a: {  	s5 =	simm.s32 $_scs_section_size  }
0x9b: {  	s6 =	simm.s32 $_size__tile_overlayer_lowered;
	s7 =	simm.s32 $_tile_overlayer_lowered  }
0x9c: {  	s22 =	simm.s32 $0x1BFF;
	s21 =	sshll.u32 s7, $0x1;
	s4 =	sadd.s32 s5, s19  }
0x9d: {  	s8 =	simm.s32 $0x0;
	s20 =	sshll.u32 s6, $0x1;
	s6 =	sadd.s32 s21, s4  }
0x9e: {  	[timem:s8], [sflag:s22] =	dma.local [hbm:s6], s20  }
0x9f: {  	_ =	swait.ge [sflag:s22], s20  }
0xa0: {  	s5 =	ssub.s32 $0x0, s20;
	[sflag:s22] =	ssyncset.done $0x0  }
0xa1: {  	[sflag:s22] =	ssyncadd.s32 s5;
	_ =	sdelay $0x1  }
0xa2: {  	s23 =	simm.s32 $0x1B8B  }
0xa3: {  	_ =	swait.ge [sflag:s23], $0x1  }
0xa4: {  	[sflag:s23] =	ssyncset.done $0x0  }
0xa5: {  	s25 =	simm.s32 $0x1B8E;
	s24 =	sld [smem:$0x3FFE];
	[sflag:s23] =	ssyncadd.s32 $0xFFFFFFFF  }
0xa6: {  	s26 =	simm.s32 $execute0_lowered;
	[smem:$0x3FD2] =	sst s25  }
0xa7: {  	s6 =	sshll.u32 s26, $0x1;
	_ =	strace $0x80000046;
	[dreg:$0x1] =	wrdreg $0xFFFFFFFF  }
0xa8: {  	s28 =	simm.s32 $_size_execute0_lowered;
	s4 =	sadd.s32 s4, s6;
	[dreg:$0x0] =	wrdreg $0x0  }
0xa9: {  	s6 =	sshll.u32 s28, $0x1;
	[dreg:$0x2] =	wrdreg s4  }
0xaa: {  	[dreg:$0x3] =	wrdreg s6  }
0xab: {  	[dreg:$0x4] =	wrdreg $0xC0  }
0xac: {  	_ =	task [dreg:s8], $0x5FFFF  }
0xad: {  	[dreg:$0x1] =	wrdreg $0xFFFFFFFF  }
0xae: {  	[dreg:$0x0] =	wrdreg $0x60  }
0xaf: {  	[dreg:$0x2] =	wrdreg s2  }
0xb0: {  	[dreg:$0x3] =	wrdreg s24  }
0xb1: {  	[dreg:$0x4] =	wrdreg s18  }
0xb2: {  	[dreg:$0x5] =	wrdreg $0x9  }
0xb3: {  	_ =	task.clear_ibuf [dreg:s8], $0x6FFFF;
	_ =	strace $0x90000046  }
0xb4: {  	s29 =	simm.s32 $0x9;
	_ =	strace $0x80000048  }
0xb5: {  	_ =	swait.ge [sflag:s29], $0x1  }
0xb6: {  	[sflag:s29] =	ssyncadd.s32 $0xFFFFFFFF  }
0xb7: {  	_ =	strace $0x90000048  }
0xb8: {  	_ =	sfence  }
0xb9: {  	s30 =	sld [smem:$0x0];
	_ =	sdelay $0x2  }
0xba: {  	s31 =	sshll.u32 s1, $0xD;
	s1 =	sshrl.u32 s1, $0x2  }
0xbb: {  	s3 =	sand.u32 $0x4000, s31;
	s1 =	sadd.s32 s1, s30  }
0xbc: {  	s0 =	sor.u32 s3, s0;
	s1 =	sshll.u32 s1, $0x11  }
0xbd: {  	s0 =	sor.u32 s1, s0  }
0xbe: {  	s0 =	sadd.s32 $0x8F2B, s0  }
0xbf: {  	[sflag:s0] =	ssyncadd.remote.s32 $0x1  }
0xc0: {  	_ =	sfence.sel $0xFFFF  }
0xc1: {  	[dreg:$0x0] =	wrdreg $0xFFFFFFFF;
	(pc) =	sbr.abs _section_cstart, $3  }
0xc2: {  	[dreg:$0x1] =	wrdreg $0xFFFFFFFF  }
0xc3: {  	_ =	task.clear_ibuf [dreg:s8], $0x2FFFF;
	_ =	strace $0x9FFFFFFF  }
0xc4: {  	(tm) =	ssettm $0x7FFFFFFF  }
0xc5: {  	_ =	shalt  }
tec
execute0_lowered:
.L_overlay_start_1:
0x0: {  	(tag) =	ssettag $0x1  }
0x1: {  	s0 =	srdreg.scid;
	s1 =	rddreg [dreg:$0x0]  }
0x2: {  	s3 =	stileid.u32;
	s2 =	rddreg [dreg:$0x1]  }
0x3: {  	s5 =	rddreg [dreg:$0x2];
	s13 =	simm.s32 $0x900;
	s14 =	simm.s32 $0x1100  }
0x4: {  	s15 =	simm.s32 $0x1900;
	s16 =	simm.s32 $0x2100;
	s17 =	simm.s32 $0x2900  }
0x5: {  	s18 =	simm.s32 $0x3100;
	s19 =	simm.s32 $0x3900;
	s20 =	simm.s32 $0x4100  }
0x6: {  	s21 =	simm.s32 $0x4900;
	s28 =	simm.s32 $0x7900;
	s29 =	simm.s32 $0x8100  }
0x7: {  	s30 =	simm.s32 $0x8900;
	s31 =	simm.s32 $0x9100;
	s0 =	sand.u32 $0x1, s0  }
0x8: {  	s9 =	simm.s32 $0xA900;
	s3 =	sshll.u32 s3, $0x6;
	s4 =	sshll.u32 s0, $0x5  }
0x9: {  	s10 =	simm.s32 $0xB900;
	s11 =	simm.s32 $0xC100;
	s4 =	sor.u32 s4, s3  }
0xa: {  	s0 =	ssub.s32 $0x2, s0;
	s3 =	simm.s32 $0x0;
	s6 =	smul.u32 $0x300, s4  }
0xb: {  	s22 =	sshrl.u32 s0, $0x1;
	[smem:$0x7FF] =	sst s3;
	s7 =	smul.u32 $0x1800, s4  }
0xc: {  	s2 =	sadd.s32 s4, s2;
	s0 =	ssub.s32 s0, s22;
	s22 =	simm.s32 $0x5100  }
0xd: {  	_ =	strace $0x80000047;
	s2 =	sadd.s32 $0x1000, s2;
	s4 =	smax.u32 s0, $0x1  }
0xe: {  	s8 =	sadd.s32 s5, s6;
	s23 =	sshrl.u32 s7, $0x3;
	[dreg:$0x4] =	wrdreg s2  }
0xf: {  	[dreg:$0x8] =	wrdreg s8;
	s24 =	sadd.s32 $0x1800, s8;
	s6 =	sadd.s32 s5, s23  }
0x10: {  	s5 =	sadd.s32 $0x100, s1;
	s8 =	simm.s32 $0x3;
	s23 =	simm.s32 $0x5900  }
0x11: {  	v2 =	vlaneseq.u32;
	[dreg:$0x5] =	wrdreg s24;
	s25 =	sadd.s32 $0x3000, s6;
	s26 =	sadd.s32 $0x4800, s6  }
0x12: {  	vm0 =	vmmov $0xffff;
	v1 =	vshrl.u32 v2, $0x3;
	s6 =	sadd.s32 $0x200, s1;
	s24 =	simm.s32 $0x6100;
	[dreg:$0x6] =	wrdreg s25  }
0x13: {  	v0 =	vand.u32 $0x7, v2;
	v2 =	vor.u32 $0x8, v2;
	v1 =	vmul.u32 $0x8, v1;
	[dreg:$0x7] =	wrdreg s26;
	s25 =	simm.s32 $0x6900;
	s26 =	simm.s32 $0x7100  }
.LBB2_1:
0x14: {  	s12 =	rddreg [dreg:$0x4]  }
0x15: {  	[tilespmem:s3], [sflag:$0x3] =	stream.linear.gather [hbm4b:s12+s3], $0x100, $0x38;
	[tilespmem:$0x18100] =	vst v63  }
0x16: {  	_ =	swait.ge [sflag:s8], $0x100  }
0x17: {  	[sflag:s8] =	ssyncset.done $0x0  }
0x18: {  	[sflag:s8] =	ssyncadd.s32 $0xFFFFFF00  }
0x19: {  	v3 =	vld [tilespmem:$0x0];
	_ =	sdelay $0x4  }
0x1a: {  	v4 =	vshrl.u32 v3, $0x3  }
0x1b: {  	v4 =	vmul.u32 $0x30, v4  }
0x1c: {  	v3 =	vand.u32 $0x7, v3  }
0x1d: {  	v3 =	vor.u32 v3, v4  }
0x1e: {  	v4 =	vperm.xlane v3, v0;
	_ =	sdelay $0x1  }
0x1f: {  	v4 =	vadd.s32 v1, v4;
	_ =	sdelay $0x3  }
0x20: {  	s0 =	simm.s32 $0x100;
	v3 =	vperm.xlane v3, v2  }
0x21: {  	[tilespmem:s0], [sflag:$0x1] =	stream.indirect_vreg.gather [hbm4b:s1+s3], $0x80, v4, vm0, $0xb8;
	[tilespmem:$0x18100] =	vst v63  }
0x22: {  	v3 =	vadd.s32 v1, v3  }
0x23: {  	[tilespmem:s13], [sflag:$0x1] =	stream.indirect_vreg.gather [hbm4b:s5+s3], $0x80, v4, vm0, $0xb8;
	[tilespmem:$0x18100] =	vst v63  }
0x24: {  	_ = 	snop  }
0x25: {  	[tilespmem:s14], [sflag:$0x1] =	stream.indirect_vreg.gather [hbm4b:s6+s3], $0x80, v4, vm0, $0xb8;
	[tilespmem:$0x18100] =	vst v63  }
0x26: {  	_ = 	snop  }
0x27: {  	[tilespmem:s15], [sflag:$0x1] =	stream.indirect_vreg.gather [hbm4b:s1+s3], $0x80, v3, vm0, $0xb8;
	[tilespmem:$0x18100] =	vst v63  }
0x28: {  	_ = 	snop  }
0x29: {  	[tilespmem:s16], [sflag:$0x1] =	stream.indirect_vreg.gather [hbm4b:s5+s3], $0x80, v3, vm0, $0xb8;
	[tilespmem:$0x18100] =	vst v63  }
0x2a: {  	_ = 	snop  }
0x2b: {  	[tilespmem:s17], [sflag:$0x1] =	stream.indirect_vreg.gather [hbm4b:s6+s3], $0x80, v3, vm0, $0xb8;
	[tilespmem:$0x18100] =	vst v63  }
0x2c: {  	v3 =	vld [tilespmem:$0x10];
	_ =	sdelay $0x4  }
0x2d: {  	v49 =	vshrl.u32 v3, $0x3  }
0x2e: {  	v4 =	vmul.u32 $0x30, v49  }
0x2f: {  	v3 =	vand.u32 $0x7, v3  }
0x30: {  	v3 =	vor.u32 v3, v4  }
0x31: {  	v4 =	vperm.xlane v3, v0;
	_ =	sdelay $0x1  }
0x32: {  	v4 =	vadd.s32 v1, v4;
	_ =	sdelay $0x3  }
0x33: {  	v3 =	vperm.xlane v3, v2  }
0x34: {  	[tilespmem:s18], [sflag:$0x1] =	stream.indirect_vreg.gather [hbm4b:s1+s3], $0x80, v4, vm0, $0xb8;
	[tilespmem:$0x18100] =	vst v63  }
0x35: {  	v3 =	vadd.s32 v1, v3  }
0x36: {  	[tilespmem:s19], [sflag:$0x1] =	stream.indirect_vreg.gather [hbm4b:s5+s3], $0x80, v4, vm0, $0xb8;
	[tilespmem:$0x18100] =	vst v63  }
0x37: {  	_ = 	snop  }
0x38: {  	[tilespmem:s20], [sflag:$0x1] =	stream.indirect_vreg.gather [hbm4b:s6+s3], $0x80, v4, vm0, $0xb8;
	[tilespmem:$0x18100] =	vst v63  }
0x39: {  	_ = 	snop  }
0x3a: {  	[tilespmem:s21], [sflag:$0x1] =	stream.indirect_vreg.gather [hbm4b:s1+s3], $0x80, v3, vm0, $0xb8;
	[tilespmem:$0x18100] =	vst v63  }
0x3b: {  	_ = 	snop  }
0x3c: {  	[tilespmem:s22], [sflag:$0x1] =	stream.indirect_vreg.gather [hbm4b:s5+s3], $0x80, v3, vm0, $0xb8;
	[tilespmem:$0x18100] =	vst v63  }
0x3d: {  	_ = 	snop  }
0x3e: {  	[tilespmem:s23], [sflag:$0x1] =	stream.indirect_vreg.gather [hbm4b:s6+s3], $0x80, v3, vm0, $0xb8;
	[tilespmem:$0x18100] =	vst v63  }
0x3f: {  	v3 =	vld [tilespmem:$0x20];
	_ =	sdelay $0x4  }
0x40: {  	v50 =	vshrl.u32 v3, $0x3  }
0x41: {  	v4 =	vmul.u32 $0x30, v50  }
0x42: {  	v3 =	vand.u32 $0x7, v3  }
0x43: {  	v3 =	vor.u32 v3, v4  }
0x44: {  	v4 =	vperm.xlane v3, v0;
	_ =	sdelay $0x1  }
0x45: {  	v4 =	vadd.s32 v1, v4;
	_ =	sdelay $0x3  }
0x46: {  	v3 =	vperm.xlane v3, v2  }
0x47: {  	[tilespmem:s24], [sflag:$0x1] =	stream.indirect_vreg.gather [hbm4b:s1+s3], $0x80, v4, vm0, $0xb8;
	[tilespmem:$0x18100] =	vst v63  }
0x48: {  	v3 =	vadd.s32 v1, v3  }
0x49: {  	[tilespmem:s25], [sflag:$0x1] =	stream.indirect_vreg.gather [hbm4b:s5+s3], $0x80, v4, vm0, $0xb8;
	[tilespmem:$0x18100] =	vst v63  }
0x4a: {  	_ = 	snop  }
0x4b: {  	[tilespmem:s26], [sflag:$0x1] =	stream.indirect_vreg.gather [hbm4b:s6+s3], $0x80, v4, vm0, $0xb8;
	[tilespmem:$0x18100] =	vst v63  }
0x4c: {  	_ = 	snop  }
0x4d: {  	[tilespmem:s28], [sflag:$0x1] =	stream.indirect_vreg.gather [hbm4b:s1+s3], $0x80, v3, vm0, $0xb8;
	[tilespmem:$0x18100] =	vst v63  }
0x4e: {  	_ = 	snop  }
0x4f: {  	[tilespmem:s29], [sflag:$0x1] =	stream.indirect_vreg.gather [hbm4b:s5+s3], $0x80, v3, vm0, $0xb8;
	[tilespmem:$0x18100] =	vst v63  }
0x50: {  	_ = 	snop  }
0x51: {  	[tilespmem:s30], [sflag:$0x1] =	stream.indirect_vreg.gather [hbm4b:s6+s3], $0x80, v3, vm0, $0xb8;
	[tilespmem:$0x18100] =	vst v63  }
0x52: {  	v3 =	vld [tilespmem:$0x30];
	_ =	sdelay $0x4  }
0x53: {  	v51 =	vshrl.u32 v3, $0x3  }
0x54: {  	v4 =	vmul.u32 $0x30, v51  }
0x55: {  	v3 =	vand.u32 $0x7, v3  }
0x56: {  	v3 =	vor.u32 v3, v4  }
0x57: {  	v4 =	vperm.xlane v3, v0;
	_ =	sdelay $0x1  }
0x58: {  	v4 =	vadd.s32 v1, v4;
	_ =	sdelay $0x3  }
0x59: {  	v3 =	vperm.xlane v3, v2  }
0x5a: {  	[tilespmem:s31], [sflag:$0x1] =	stream.indirect_vreg.gather [hbm4b:s1+s3], $0x80, v4, vm0, $0xb8;
	[tilespmem:$0x18100] =	vst v63  }
0x5b: {  	s2 =	simm.s32 $0x9900;
	v3 =	vadd.s32 v1, v3  }
0x5c: {  	[tilespmem:s2], [sflag:$0x1] =	stream.indirect_vreg.gather [hbm4b:s5+s3], $0x80, v4, vm0, $0xb8;
	[tilespmem:$0x18100] =	vst v63  }
0x5d: {  	s12 =	simm.s32 $0xA100  }
0x5e: {  	[tilespmem:s12], [sflag:$0x1] =	stream.indirect_vreg.gather [hbm4b:s6+s3], $0x80, v4, vm0, $0xb8;
	[tilespmem:$0x18100] =	vst v63  }
0x5f: {  	_ = 	snop  }
0x60: {  	[tilespmem:s9], [sflag:$0x1] =	stream.indirect_vreg.gather [hbm4b:s1+s3], $0x80, v3, vm0, $0xb8;
	[tilespmem:$0x18100] =	vst v63  }
0x61: {  	s7 =	simm.s32 $0xB100  }
0x62: {  	[tilespmem:s7], [sflag:$0x1] =	stream.indirect_vreg.gather [hbm4b:s5+s3], $0x80, v3, vm0, $0xb8;
	[tilespmem:$0x18100] =	vst v63  }
0x63: {  	_ = 	snop  }
0x64: {  	[tilespmem:s10], [sflag:$0x1] =	stream.indirect_vreg.gather [hbm4b:s6+s3], $0x80, v3, vm0, $0xb8;
	[tilespmem:$0x18100] =	vst v63  }
0x65: {  	v3 =	vld [tilespmem:$0x40];
	_ =	sdelay $0x4  }
0x66: {  	v52 =	vshrl.u32 v3, $0x3  }
0x67: {  	v4 =	vmul.u32 $0x30, v52  }
0x68: {  	v3 =	vand.u32 $0x7, v3  }
0x69: {  	v3 =	vor.u32 v3, v4  }
0x6a: {  	v4 =	vperm.xlane v3, v0;
	_ =	sdelay $0x1  }
0x6b: {  	v4 =	vadd.s32 v1, v4;
	_ =	sdelay $0x3  }
0x6c: {  	v3 =	vperm.xlane v3, v2  }
0x6d: {  	[tilespmem:s11], [sflag:$0x2] =	stream.indirect_vreg.gather [hbm4b:s1+s3], $0x80, v4, vm0, $0xb8;
	[tilespmem:$0x18100] =	vst v63  }
0x6e: {  	s12 =	simm.s32 $0xC900;
	v3 =	vadd.s32 v1, v3  }
0x6f: {  	[tilespmem:s12], [sflag:$0x2] =	stream.indirect_vreg.gather [hbm4b:s5+s3], $0x80, v4, vm0, $0xb8;
	[tilespmem:$0x18100] =	vst v63  }
0x70: {  	s7 =	simm.s32 $0xD100  }
0x71: {  	[tilespmem:s7], [sflag:$0x2] =	stream.indirect_vreg.gather [hbm4b:s6+s3], $0x80, v4, vm0, $0xb8;
	[tilespmem:$0x18100] =	vst v63  }
0x72: {  	s12 =	simm.s32 $0xD900  }
0x73: {  	[tilespmem:s12], [sflag:$0x2] =	stream.indirect_vreg.gather [hbm4b:s1+s3], $0x80, v3, vm0, $0xb8;
	[tilespmem:$0x18100] =	vst v63  }
0x74: {  	s7 =	simm.s32 $0xE100  }
0x75: {  	[tilespmem:s7], [sflag:$0x2] =	stream.indirect_vreg.gather [hbm4b:s5+s3], $0x80, v3, vm0, $0xb8;
	[tilespmem:$0x18100] =	vst v63  }
0x76: {  	s12 =	simm.s32 $0xE900  }
0x77: {  	[tilespmem:s12], [sflag:$0x2] =	stream.indirect_vreg.gather [hbm4b:s6+s3], $0x80, v3, vm0, $0xb8;
	[tilespmem:$0x18100] =	vst v63  }
0x78: {  	v3 =	vld [tilespmem:$0x50];
	_ =	sdelay $0x4  }
0x79: {  	v53 =	vshrl.u32 v3, $0x3  }
0x7a: {  	v4 =	vmul.u32 $0x30, v53  }
0x7b: {  	v3 =	vand.u32 $0x7, v3  }
0x7c: {  	v3 =	vor.u32 v3, v4  }
0x7d: {  	v4 =	vperm.xlane v3, v0;
	_ =	sdelay $0x1  }
0x7e: {  	v4 =	vadd.s32 v1, v4;
	_ =	sdelay $0x3  }
0x7f: {  	s7 =	simm.s32 $0xF100;
	v3 =	vperm.xlane v3, v2  }
0x80: {  	[tilespmem:s7], [sflag:$0x2] =	stream.indirect_vreg.gather [hbm4b:s1+s3], $0x80, v4, vm0, $0xb8;
	[tilespmem:$0x18100] =	vst v63  }
0x81: {  	s12 =	simm.s32 $0xF900;
	v3 =	vadd.s32 v1, v3  }
0x82: {  	[tilespmem:s12], [sflag:$0x2] =	stream.indirect_vreg.gather [hbm4b:s5+s3], $0x80, v4, vm0, $0xb8;
	[tilespmem:$0x18100] =	vst v63  }
0x83: {  	s7 =	simm.s32 $0x10100  }
0x84: {  	[tilespmem:s7], [sflag:$0x2] =	stream.indirect_vreg.gather [hbm4b:s6+s3], $0x80, v4, vm0, $0xb8;
	[tilespmem:$0x18100] =	vst v63  }
0x85: {  	s12 =	simm.s32 $0x10900  }
0x86: {  	[tilespmem:s12], [sflag:$0x2] =	stream.indirect_vreg.gather [hbm4b:s1+s3], $0x80, v3, vm0, $0xb8;
	[tilespmem:$0x18100] =	vst v63  }
0x87: {  	s7 =	simm.s32 $0x11100  }
0x88: {  	[tilespmem:s7], [sflag:$0x2] =	stream.indirect_vreg.gather [hbm4b:s5+s3], $0x80, v3, vm0, $0xb8;
	[tilespmem:$0x18100] =	vst v63  }
0x89: {  	s12 =	simm.s32 $0x11900  }
0x8a: {  	[tilespmem:s12], [sflag:$0x2] =	stream.indirect_vreg.gather [hbm4b:s6+s3], $0x80, v3, vm0, $0xb8;
	[tilespmem:$0x18100] =	vst v63  }
0x8b: {  	v3 =	vld [tilespmem:$0x60];
	_ =	sdelay $0x4  }
0x8c: {  	v54 =	vshrl.u32 v3, $0x3  }
0x8d: {  	v4 =	vmul.u32 $0x30, v54  }
0x8e: {  	v3 =	vand.u32 $0x7, v3  }
0x8f: {  	v3 =	vor.u32 v3, v4  }
0x90: {  	v4 =	vperm.xlane v3, v0;
	_ =	sdelay $0x1  }
0x91: {  	v4 =	vadd.s32 v1, v4;
	_ =	sdelay $0x3  }
0x92: {  	s7 =	simm.s32 $0x12100;
	v3 =	vperm.xlane v3, v2  }
0x93: {  	[tilespmem:s7], [sflag:$0x2] =	stream.indirect_vreg.gather [hbm4b:s1+s3], $0x80, v4, vm0, $0xb8;
	[tilespmem:$0x18100] =	vst v63  }
0x94: {  	s12 =	simm.s32 $0x12900;
	v3 =	vadd.s32 v1, v3  }
0x95: {  	[tilespmem:s12], [sflag:$0x2] =	stream.indirect_vreg.gather [hbm4b:s5+s3], $0x80, v4, vm0, $0xb8;
	[tilespmem:$0x18100] =	vst v63  }
0x96: {  	s7 =	simm.s32 $0x13100  }
0x97: {  	[tilespmem:s7], [sflag:$0x2] =	stream.indirect_vreg.gather [hbm4b:s6+s3], $0x80, v4, vm0, $0xb8;
	[tilespmem:$0x18100] =	vst v63  }
0x98: {  	s12 =	simm.s32 $0x13900  }
0x99: {  	[tilespmem:s12], [sflag:$0x2] =	stream.indirect_vreg.gather [hbm4b:s1+s3], $0x80, v3, vm0, $0xb8;
	[tilespmem:$0x18100] =	vst v63  }
0x9a: {  	s7 =	simm.s32 $0x14100  }
0x9b: {  	[tilespmem:s7], [sflag:$0x2] =	stream.indirect_vreg.gather [hbm4b:s5+s3], $0x80, v3, vm0, $0xb8;
	[tilespmem:$0x18100] =	vst v63  }
0x9c: {  	s12 =	simm.s32 $0x14900  }
0x9d: {  	[tilespmem:s12], [sflag:$0x2] =	stream.indirect_vreg.gather [hbm4b:s6+s3], $0x80, v3, vm0, $0xb8;
	[tilespmem:$0x18100] =	vst v63  }
0x9e: {  	v3 =	vld [tilespmem:$0x70];
	_ =	sdelay $0x4  }
0x9f: {  	v55 =	vshrl.u32 v3, $0x3  }
0xa0: {  	v4 =	vmul.u32 $0x30, v55  }
0xa1: {  	v3 =	vand.u32 $0x7, v3  }
0xa2: {  	v3 =	vor.u32 v3, v4  }
0xa3: {  	v4 =	vperm.xlane v3, v0;
	_ =	sdelay $0x1  }
0xa4: {  	v4 =	vadd.s32 v1, v4;
	_ =	sdelay $0x3  }
0xa5: {  	s7 =	simm.s32 $0x15100;
	v3 =	vperm.xlane v3, v2  }
0xa6: {  	[tilespmem:s7], [sflag:$0x2] =	stream.indirect_vreg.gather [hbm4b:s1+s3], $0x80, v4, vm0, $0xb8;
	[tilespmem:$0x18100] =	vst v63  }
0xa7: {  	s12 =	simm.s32 $0x15900;
	v3 =	vadd.s32 v1, v3  }
0xa8: {  	[tilespmem:s12], [sflag:$0x2] =	stream.indirect_vreg.gather [hbm4b:s5+s3], $0x80, v4, vm0, $0xb8;
	[tilespmem:$0x18100] =	vst v63  }
0xa9: {  	s7 =	simm.s32 $0x16100  }
0xaa: {  	[tilespmem:s7], [sflag:$0x2] =	stream.indirect_vreg.gather [hbm4b:s6+s3], $0x80, v4, vm0, $0xb8;
	[tilespmem:$0x18100] =	vst v63  }
0xab: {  	s12 =	simm.s32 $0x16900  }
0xac: {  	[tilespmem:s12], [sflag:$0x2] =	stream.indirect_vreg.gather [hbm4b:s1+s3], $0x80, v3, vm0, $0xb8;
	[tilespmem:$0x18100] =	vst v63  }
0xad: {  	s7 =	simm.s32 $0x17100  }
0xae: {  	[tilespmem:s7], [sflag:$0x2] =	stream.indirect_vreg.gather [hbm4b:s5+s3], $0x80, v3, vm0, $0xb8;
	[tilespmem:$0x18100] =	vst v63  }
0xaf: {  	s0 =	simm.s32 $0x1;
	s12 =	simm.s32 $0x17900  }
0xb0: {  	[tilespmem:s12], [sflag:$0x2] =	stream.indirect_vreg.gather [hbm4b:s6+s3], $0x80, v3, vm0, $0xb8;
	[tilespmem:$0x18100] =	vst v63  }
0xb1: {  	_ =	swait.ge [sflag:s0], $0xC000  }
0xb2: {  	[sflag:s0] =	ssyncset.done $0x0  }
0xb3: {  	s7 =	simm.s32 $0x100;
	s12 =	rddreg [dreg:$0x8];
	[sflag:s0] =	ssyncadd.s32 $0xFFFF4000  }
0xb4: {  	[hbm4b:s12+s3] =	stream.linear.scatter [tilespmem:s7], [sflag:$0x3], $0xC000, $0x38;
	[tilespmem:$0x18100] =	vst v63  }
0xb5: {  	_ =	swait.ge [sflag:s8], $0xC000  }
0xb6: {  	[sflag:s8] =	ssyncset.done $0x0  }
0xb7: {  	[sflag:s8] =	ssyncadd.s32 $0xFFFF4000  }
0xb8: {  	v3 =	vld [tilespmem:$0x80];
	_ =	sdelay $0x4  }
0xb9: {  	v56 =	vshrl.u32 v3, $0x3  }
0xba: {  	v4 =	vmul.u32 $0x30, v56  }
0xbb: {  	v3 =	vand.u32 $0x7, v3  }
0xbc: {  	v3 =	vor.u32 v3, v4  }
0xbd: {  	v4 =	vperm.xlane v3, v0;
	_ =	sdelay $0x1  }
0xbe: {  	v4 =	vadd.s32 v1, v4;
	_ =	sdelay $0x3  }
0xbf: {  	v3 =	vperm.xlane v3, v2  }
0xc0: {  	[tilespmem:s7], [sflag:$0x1] =	stream.indirect_vreg.gather [hbm4b:s1+s3], $0x80, v4, vm0, $0xb8;
	[tilespmem:$0x18100] =	vst v63  }
0xc1: {  	v3 =	vadd.s32 v1, v3  }
0xc2: {  	[tilespmem:s13], [sflag:$0x1] =	stream.indirect_vreg.gather [hbm4b:s5+s3], $0x80, v4, vm0, $0xb8;
	[tilespmem:$0x18100] =	vst v63  }
0xc3: {  	_ = 	snop  }
0xc4: {  	[tilespmem:s14], [sflag:$0x1] =	stream.indirect_vreg.gather [hbm4b:s6+s3], $0x80, v4, vm0, $0xb8;
	[tilespmem:$0x18100] =	vst v63  }
0xc5: {  	_ = 	snop  }
0xc6: {  	[tilespmem:s15], [sflag:$0x1] =	stream.indirect_vreg.gather [hbm4b:s1+s3], $0x80, v3, vm0, $0xb8;
	[tilespmem:$0x18100] =	vst v63  }
0xc7: {  	_ = 	snop  }
0xc8: {  	[tilespmem:s16], [sflag:$0x1] =	stream.indirect_vreg.gather [hbm4b:s5+s3], $0x80, v3, vm0, $0xb8;
	[tilespmem:$0x18100] =	vst v63  }
0xc9: {  	_ = 	snop  }
0xca: {  	[tilespmem:s17], [sflag:$0x1] =	stream.indirect_vreg.gather [hbm4b:s6+s3], $0x80, v3, vm0, $0xb8;
	[tilespmem:$0x18100] =	vst v63  }
0xcb: {  	v3 =	vld [tilespmem:$0x90];
	_ =	sdelay $0x4  }
0xcc: {  	v57 =	vshrl.u32 v3, $0x3  }
0xcd: {  	v4 =	vmul.u32 $0x30, v57  }
0xce: {  	v3 =	vand.u32 $0x7, v3  }
0xcf: {  	v3 =	vor.u32 v3, v4  }
0xd0: {  	v4 =	vperm.xlane v3, v0;
	_ =	sdelay $0x1  }
0xd1: {  	v4 =	vadd.s32 v1, v4;
	_ =	sdelay $0x3  }
0xd2: {  	v3 =	vperm.xlane v3, v2  }
0xd3: {  	[tilespmem:s18], [sflag:$0x1] =	stream.indirect_vreg.gather [hbm4b:s1+s3], $0x80, v4, vm0, $0xb8;
	[tilespmem:$0x18100] =	vst v63  }
0xd4: {  	v3 =	vadd.s32 v1, v3  }
0xd5: {  	[tilespmem:s19], [sflag:$0x1] =	stream.indirect_vreg.gather [hbm4b:s5+s3], $0x80, v4, vm0, $0xb8;
	[tilespmem:$0x18100] =	vst v63  }
0xd6: {  	_ = 	snop  }
0xd7: {  	[tilespmem:s20], [sflag:$0x1] =	stream.indirect_vreg.gather [hbm4b:s6+s3], $0x80, v4, vm0, $0xb8;
	[tilespmem:$0x18100] =	vst v63  }
0xd8: {  	_ = 	snop  }
0xd9: {  	[tilespmem:s21], [sflag:$0x1] =	stream.indirect_vreg.gather [hbm4b:s1+s3], $0x80, v3, vm0, $0xb8;
	[tilespmem:$0x18100] =	vst v63  }
0xda: {  	_ = 	snop  }
0xdb: {  	[tilespmem:s22], [sflag:$0x1] =	stream.indirect_vreg.gather [hbm4b:s5+s3], $0x80, v3, vm0, $0xb8;
	[tilespmem:$0x18100] =	vst v63  }
0xdc: {  	_ = 	snop  }
0xdd: {  	[tilespmem:s23], [sflag:$0x1] =	stream.indirect_vreg.gather [hbm4b:s6+s3], $0x80, v3, vm0, $0xb8;
	[tilespmem:$0x18100] =	vst v63  }
0xde: {  	v3 =	vld [tilespmem:$0xA0];
	_ =	sdelay $0x4  }
0xdf: {  	v58 =	vshrl.u32 v3, $0x3  }
0xe0: {  	v4 =	vmul.u32 $0x30, v58  }
0xe1: {  	v3 =	vand.u32 $0x7, v3  }
0xe2: {  	v3 =	vor.u32 v3, v4  }
0xe3: {  	v4 =	vperm.xlane v3, v0;
	_ =	sdelay $0x1  }
0xe4: {  	v4 =	vadd.s32 v1, v4;
	_ =	sdelay $0x3  }
0xe5: {  	v3 =	vperm.xlane v3, v2  }
0xe6: {  	[tilespmem:s24], [sflag:$0x1] =	stream.indirect_vreg.gather [hbm4b:s1+s3], $0x80, v4, vm0, $0xb8;
	[tilespmem:$0x18100] =	vst v63  }
0xe7: {  	v3 =	vadd.s32 v1, v3  }
0xe8: {  	[tilespmem:s25], [sflag:$0x1] =	stream.indirect_vreg.gather [hbm4b:s5+s3], $0x80, v4, vm0, $0xb8;
	[tilespmem:$0x18100] =	vst v63  }
0xe9: {  	_ = 	snop  }
0xea: {  	[tilespmem:s26], [sflag:$0x1] =	stream.indirect_vreg.gather [hbm4b:s6+s3], $0x80, v4, vm0, $0xb8;
	[tilespmem:$0x18100] =	vst v63  }
0xeb: {  	_ = 	snop  }
0xec: {  	[tilespmem:s28], [sflag:$0x1] =	stream.indirect_vreg.gather [hbm4b:s1+s3], $0x80, v3, vm0, $0xb8;
	[tilespmem:$0x18100] =	vst v63  }
0xed: {  	_ = 	snop  }
0xee: {  	[tilespmem:s29], [sflag:$0x1] =	stream.indirect_vreg.gather [hbm4b:s5+s3], $0x80, v3, vm0, $0xb8;
	[tilespmem:$0x18100] =	vst v63  }
0xef: {  	_ = 	snop  }
0xf0: {  	[tilespmem:s30], [sflag:$0x1] =	stream.indirect_vreg.gather [hbm4b:s6+s3], $0x80, v3, vm0, $0xb8;
	[tilespmem:$0x18100] =	vst v63  }
0xf1: {  	v3 =	vld [tilespmem:$0xB0];
	_ =	sdelay $0x4  }
0xf2: {  	v59 =	vshrl.u32 v3, $0x3  }
0xf3: {  	v4 =	vmul.u32 $0x30, v59  }
0xf4: {  	v3 =	vand.u32 $0x7, v3  }
0xf5: {  	v3 =	vor.u32 v3, v4  }
0xf6: {  	v4 =	vperm.xlane v3, v0;
	_ =	sdelay $0x1  }
0xf7: {  	v4 =	vadd.s32 v1, v4;
	_ =	sdelay $0x3  }
0xf8: {  	v3 =	vperm.xlane v3, v2  }
0xf9: {  	[tilespmem:s31], [sflag:$0x1] =	stream.indirect_vreg.gather [hbm4b:s1+s3], $0x80, v4, vm0, $0xb8;
	[tilespmem:$0x18100] =	vst v63  }
0xfa: {  	v3 =	vadd.s32 v1, v3  }
0xfb: {  	[tilespmem:s2], [sflag:$0x1] =	stream.indirect_vreg.gather [hbm4b:s5+s3], $0x80, v4, vm0, $0xb8;
	[tilespmem:$0x18100] =	vst v63  }
0xfc: {  	s7 =	simm.s32 $0xA100  }
0xfd: {  	[tilespmem:s7], [sflag:$0x1] =	stream.indirect_vreg.gather [hbm4b:s6+s3], $0x80, v4, vm0, $0xb8;
	[tilespmem:$0x18100] =	vst v63  }
0xfe: {  	_ = 	snop  }
0xff: {  	[tilespmem:s9], [sflag:$0x1] =	stream.indirect_vreg.gather [hbm4b:s1+s3], $0x80, v3, vm0, $0xb8;
	[tilespmem:$0x18100] =	vst v63  }
0x100: {  	s12 =	simm.s32 $0xB100  }
0x101: {  	[tilespmem:s12], [sflag:$0x1] =	stream.indirect_vreg.gather [hbm4b:s5+s3], $0x80, v3, vm0, $0xb8;
	[tilespmem:$0x18100] =	vst v63  }
0x102: {  	s2 =	simm.s32 $0x2  }
0x103: {  	[tilespmem:s10], [sflag:$0x1] =	stream.indirect_vreg.gather [hbm4b:s6+s3], $0x80, v3, vm0, $0xb8;
	[tilespmem:$0x18100] =	vst v63  }
0x104: {  	_ =	swait.ge [sflag:s2], $0xC000  }
0x105: {  	[sflag:s2] =	ssyncset.done $0x0  }
0x106: {  	s7 =	rddreg [dreg:$0x5];
	[sflag:s2] =	ssyncadd.s32 $0xFFFF4000  }
0x107: {  	[hbm4b:s7+s3] =	stream.linear.scatter [tilespmem:s11], [sflag:$0x3], $0xC000, $0x38;
	[tilespmem:$0x18100] =	vst v63  }
0x108: {  	_ =	swait.ge [sflag:s8], $0xC000  }
0x109: {  	[sflag:s8] =	ssyncset.done $0x0  }
0x10a: {  	[sflag:s8] =	ssyncadd.s32 $0xFFFF4000  }
0x10b: {  	v3 =	vld [tilespmem:$0xC0];
	_ =	sdelay $0x4  }
0x10c: {  	v60 =	vshrl.u32 v3, $0x3  }
0x10d: {  	v4 =	vmul.u32 $0x30, v60  }
0x10e: {  	v3 =	vand.u32 $0x7, v3  }
0x10f: {  	v3 =	vor.u32 v3, v4  }
0x110: {  	v4 =	vperm.xlane v3, v0;
	_ =	sdelay $0x1  }
0x111: {  	v4 =	vadd.s32 v1, v4;
	_ =	sdelay $0x3  }
0x112: {  	v3 =	vperm.xlane v3, v2  }
0x113: {  	[tilespmem:s11], [sflag:$0x2] =	stream.indirect_vreg.gather [hbm4b:s1+s3], $0x80, v4, vm0, $0xb8;
	[tilespmem:$0x18100] =	vst v63  }
0x114: {  	s12 =	simm.s32 $0xC900;
	v3 =	vadd.s32 v1, v3  }
0x115: {  	[tilespmem:s12], [sflag:$0x2] =	stream.indirect_vreg.gather [hbm4b:s5+s3], $0x80, v4, vm0, $0xb8;
	[tilespmem:$0x18100] =	vst v63  }
0x116: {  	s12 =	simm.s32 $0xD100  }
0x117: {  	[tilespmem:s12], [sflag:$0x2] =	stream.indirect_vreg.gather [hbm4b:s6+s3], $0x80, v4, vm0, $0xb8;
	[tilespmem:$0x18100] =	vst v63  }
0x118: {  	s12 =	simm.s32 $0xD900  }
0x119: {  	[tilespmem:s12], [sflag:$0x2] =	stream.indirect_vreg.gather [hbm4b:s1+s3], $0x80, v3, vm0, $0xb8;
	[tilespmem:$0x18100] =	vst v63  }
0x11a: {  	s12 =	simm.s32 $0xE100  }
0x11b: {  	[tilespmem:s12], [sflag:$0x2] =	stream.indirect_vreg.gather [hbm4b:s5+s3], $0x80, v3, vm0, $0xb8;
	[tilespmem:$0x18100] =	vst v63  }
0x11c: {  	s12 =	simm.s32 $0xE900  }
0x11d: {  	[tilespmem:s12], [sflag:$0x2] =	stream.indirect_vreg.gather [hbm4b:s6+s3], $0x80, v3, vm0, $0xb8;
	[tilespmem:$0x18100] =	vst v63  }
0x11e: {  	v3 =	vld [tilespmem:$0xD0];
	_ =	sdelay $0x4  }
0x11f: {  	v61 =	vshrl.u32 v3, $0x3  }
0x120: {  	v4 =	vmul.u32 $0x30, v61  }
0x121: {  	v3 =	vand.u32 $0x7, v3  }
0x122: {  	v3 =	vor.u32 v3, v4  }
0x123: {  	v4 =	vperm.xlane v3, v0;
	_ =	sdelay $0x1  }
0x124: {  	v4 =	vadd.s32 v1, v4;
	_ =	sdelay $0x3  }
0x125: {  	s12 =	simm.s32 $0xF100;
	v3 =	vperm.xlane v3, v2  }
0x126: {  	[tilespmem:s12], [sflag:$0x2] =	stream.indirect_vreg.gather [hbm4b:s1+s3], $0x80, v4, vm0, $0xb8;
	[tilespmem:$0x18100] =	vst v63  }
0x127: {  	v3 =	vadd.s32 v1, v3;
	s12 =	simm.s32 $0xF900  }
0x128: {  	[tilespmem:s12], [sflag:$0x2] =	stream.indirect_vreg.gather [hbm4b:s5+s3], $0x80, v4, vm0, $0xb8;
	[tilespmem:$0x18100] =	vst v63  }
0x129: {  	s12 =	simm.s32 $0x10100  }
0x12a: {  	[tilespmem:s12], [sflag:$0x2] =	stream.indirect_vreg.gather [hbm4b:s6+s3], $0x80, v4, vm0, $0xb8;
	[tilespmem:$0x18100] =	vst v63  }
0x12b: {  	s12 =	simm.s32 $0x10900  }
0x12c: {  	[tilespmem:s12], [sflag:$0x2] =	stream.indirect_vreg.gather [hbm4b:s1+s3], $0x80, v3, vm0, $0xb8;
	[tilespmem:$0x18100] =	vst v63  }
0x12d: {  	s12 =	simm.s32 $0x11100  }
0x12e: {  	[tilespmem:s12], [sflag:$0x2] =	stream.indirect_vreg.gather [hbm4b:s5+s3], $0x80, v3, vm0, $0xb8;
	[tilespmem:$0x18100] =	vst v63  }
0x12f: {  	s12 =	simm.s32 $0x11900  }
0x130: {  	[tilespmem:s12], [sflag:$0x2] =	stream.indirect_vreg.gather [hbm4b:s6+s3], $0x80, v3, vm0, $0xb8;
	[tilespmem:$0x18100] =	vst v63  }
0x131: {  	v3 =	vld [tilespmem:$0xE0];
	_ =	sdelay $0x4  }
0x132: {  	v62 =	vshrl.u32 v3, $0x3  }
0x133: {  	v4 =	vmul.u32 $0x30, v62  }
0x134: {  	v3 =	vand.u32 $0x7, v3  }
0x135: {  	v3 =	vor.u32 v3, v4  }
0x136: {  	v4 =	vperm.xlane v3, v0;
	_ =	sdelay $0x1  }
0x137: {  	v4 =	vadd.s32 v1, v4;
	_ =	sdelay $0x3  }
0x138: {  	s12 =	simm.s32 $0x12100;
	v3 =	vperm.xlane v3, v2  }
0x139: {  	[tilespmem:s12], [sflag:$0x2] =	stream.indirect_vreg.gather [hbm4b:s1+s3], $0x80, v4, vm0, $0xb8;
	[tilespmem:$0x18100] =	vst v63  }
0x13a: {  	v3 =	vadd.s32 v1, v3;
	s12 =	simm.s32 $0x12900  }
0x13b: {  	[tilespmem:s12], [sflag:$0x2] =	stream.indirect_vreg.gather [hbm4b:s5+s3], $0x80, v4, vm0, $0xb8;
	[tilespmem:$0x18100] =	vst v63  }
0x13c: {  	s12 =	simm.s32 $0x13100  }
0x13d: {  	[tilespmem:s12], [sflag:$0x2] =	stream.indirect_vreg.gather [hbm4b:s6+s3], $0x80, v4, vm0, $0xb8;
	[tilespmem:$0x18100] =	vst v63  }
0x13e: {  	s12 =	simm.s32 $0x13900  }
0x13f: {  	[tilespmem:s12], [sflag:$0x2] =	stream.indirect_vreg.gather [hbm4b:s1+s3], $0x80, v3, vm0, $0xb8;
	[tilespmem:$0x18100] =	vst v63  }
0x140: {  	s12 =	simm.s32 $0x14100  }
0x141: {  	[tilespmem:s12], [sflag:$0x2] =	stream.indirect_vreg.gather [hbm4b:s5+s3], $0x80, v3, vm0, $0xb8;
	[tilespmem:$0x18100] =	vst v63  }
0x142: {  	s12 =	simm.s32 $0x14900  }
0x143: {  	[tilespmem:s12], [sflag:$0x2] =	stream.indirect_vreg.gather [hbm4b:s6+s3], $0x80, v3, vm0, $0xb8;
	[tilespmem:$0x18100] =	vst v63  }
0x144: {  	v3 =	vld [tilespmem:$0xF0];
	_ =	sdelay $0x4  }
0x145: {  	v63 =	vshrl.u32 v3, $0x3  }
0x146: {  	v4 =	vmul.u32 $0x30, v63  }
0x147: {  	v3 =	vand.u32 $0x7, v3  }
0x148: {  	v3 =	vor.u32 v3, v4  }
0x149: {  	v4 =	vperm.xlane v3, v0;
	_ =	sdelay $0x1  }
0x14a: {  	v4 =	vadd.s32 v1, v4;
	_ =	sdelay $0x3  }
0x14b: {  	s12 =	simm.s32 $0x15100;
	v3 =	vperm.xlane v3, v2  }
0x14c: {  	[tilespmem:s12], [sflag:$0x2] =	stream.indirect_vreg.gather [hbm4b:s1+s3], $0x80, v4, vm0, $0xb8;
	[tilespmem:$0x18100] =	vst v63  }
0x14d: {  	v3 =	vadd.s32 v1, v3;
	s12 =	simm.s32 $0x15900  }
0x14e: {  	[tilespmem:s12], [sflag:$0x2] =	stream.indirect_vreg.gather [hbm4b:s5+s3], $0x80, v4, vm0, $0xb8;
	[tilespmem:$0x18100] =	vst v63  }
0x14f: {  	s12 =	simm.s32 $0x16100  }
0x150: {  	[tilespmem:s12], [sflag:$0x2] =	stream.indirect_vreg.gather [hbm4b:s6+s3], $0x80, v4, vm0, $0xb8;
	[tilespmem:$0x18100] =	vst v63  }
0x151: {  	s12 =	simm.s32 $0x16900  }
0x152: {  	[tilespmem:s12], [sflag:$0x2] =	stream.indirect_vreg.gather [hbm4b:s1+s3], $0x80, v3, vm0, $0xb8;
	[tilespmem:$0x18100] =	vst v63  }
0x153: {  	s12 =	simm.s32 $0x17100  }
0x154: {  	[tilespmem:s12], [sflag:$0x2] =	stream.indirect_vreg.gather [hbm4b:s5+s3], $0x80, v3, vm0, $0xb8;
	[tilespmem:$0x18100] =	vst v63  }
0x155: {  	s12 =	simm.s32 $0x17900  }
0x156: {  	[tilespmem:s12], [sflag:$0x2] =	stream.indirect_vreg.gather [hbm4b:s6+s3], $0x80, v3, vm0, $0xb8;
	[tilespmem:$0x18100] =	vst v63  }
0x157: {  	_ =	swait.ge [sflag:s0], $0xC000  }
0x158: {  	[sflag:s0] =	ssyncset.done $0x0  }
0x159: {  	s7 =	simm.s32 $0x100;
	s12 =	rddreg [dreg:$0x6];
	[sflag:s0] =	ssyncadd.s32 $0xFFFF4000  }
0x15a: {  	[hbm4b:s12+s3] =	stream.linear.scatter [tilespmem:s7], [sflag:$0x3], $0xC000, $0x38;
	[tilespmem:$0x18100] =	vst v63  }
0x15b: {  	_ =	swait.ge [sflag:s8], $0xC000  }
0x15c: {  	[sflag:s8] =	ssyncset.done $0x0  }
0x15d: {  	[sflag:s8] =	ssyncadd.s32 $0xFFFF4000  }
0x15e: {  	_ =	swait.ge [sflag:s2], $0xC000  }
0x15f: {  	p0 =	sne.s32 s4, $0x1;
	[sflag:s2] =	ssyncset.done $0x0  }
.Ltmp0:
0x160: {  	s7 =	rddreg [dreg:$0x7];
	[sflag:s2] =	ssyncadd.s32 $0xFFFF4000;
	(pc) =	sbr.rel @p0 .LBB2_1-.Ltmp0, $4  }
0x161: {  	[hbm4b:s7+s3] =	stream.linear.scatter [tilespmem:s11], [sflag:$0x3], $0xC000, $0x38;
	[tilespmem:$0x18100] =	vst v63  }
0x162: {  	_ =	swait.ge [sflag:s8], $0xC000  }
0x163: {  	[sflag:s8] =	ssyncset.done $0x0  }
0x164: {  	s4 =	sadd.s32 $0xFFFFFFFF, s4;
	[sflag:s8] =	ssyncadd.s32 $0xFFFF4000  }
0x165: {  	_ =	sfence.sel $0x180000  }
0x166: {  	[bflag:$0x0] =	sbarrier.arrive $0xFFFF  }
0x167: {  	_ =	strace $0x90000047  }
0x168: {  	s0 =	stileid.u32;
	[bflag:$0x2] =	sbarrier.arrive $0xFFFF  }
0x169: {  	p0 =	sne.s32 s0, $0x0;
	s0 =	rddreg [dreg:$0x3]  }
0x16a: {  	s0 =	sadd.s32 @!p0 $0x100000, s0  }
0x16b: {  	[sflag:s0] =	ssyncadd.tile.s32 @!p0 $0x1;
	_ =	shalt  }
.Lfunc_end2:
_tile_overlayer_lowered:
.L_overlay_start_2:
0x16c: {  	(tag) =	ssettag $0x2  }
0x16d: {  	s0 =	rddreg [dreg:$0x0];
	s2 =	stileid.u32  }
0x16e: {  	s1 =	rddreg [dreg:$0x1];
	p0 =	sne.s32 s2, $0x0  }
0x16f: {  	s3 =	rddreg [dreg:$0x2];
	[bflag:$0x3] =	sbarrier.arrive $0xFFFF;
	s2 =	simm.s32 @!p0 $0x1C03  }
0x170: {  	[timem:s3], [sflag:s2] =	dma.local @!p0 [hbm:s0], s1  }
0x171: {  	s0 =	simm.s32 @!p0 $0x3  }
0x172: {  	_ =	swait.ge @!p0 [sflag:s0], s1  }
0x173: {  	s1 =	ssub.s32 @!p0 $0x0, s1;
	[sflag:s0] =	ssyncset.done @!p0 $0x0  }
0x174: {  	[sflag:s0] =	ssyncadd.s32 @!p0 s1  }
0x175: {  	[bflag:$0x3] =	sbarrier.arrive $0xFFFF  }
0x176: {  	_ =	shalt  }

</sc_bundles>
